<compile_context>
chip_gen: v7x
topology: tpu7x:2x2x1
jax: 0.10.2.dev20260603
libtpu: 0.0.44.dev20260713+nightly
codegen_flags: <defaults>
</compile_context>

<pallas_src>
import functools

import jax
import jax.numpy as jnp
from jax import lax
from jax.experimental import pallas as pl
from jax.experimental.pallas import tpu as pltpu
from jax.experimental.pallas import tpu_sc as plsc

NC = 2
NS = 16
NW = NC * NS
CHUNK = 125
NBUF = 2
NHALF = 2
PAD = 8


def _group_transform_body(h_ref, g_ref, wg_ref, ws_ref, ht_ref, hs_ref):
    h = h_ref[...]
    g = g_ref[...]
    N = h.shape[0]
    G = wg_ref.shape[0]
    acc = None
    for gi in range(G):
        hm = jnp.where(g == gi, h, 0.0)
        r = lax.dot_general(hm, wg_ref[gi], (((1,), (1,)), ((), ())),
                            preferred_element_type=jnp.float32)
        acc = r if acc is None else acc + r
    ht_ref[pl.ds(0, N), :] = acc
    ht_ref[pl.ds(N, PAD), :] = jnp.zeros((PAD, h.shape[1]), jnp.float32)
    hs_ref[...] = lax.dot_general(h, ws_ref[...], (((1,), (1,)), ((), ())),
                                  preferred_element_type=jnp.float32)


def _final_body(p_ref, out_ref):
    out_ref[...] = p_ref[0] + p_ref[1]


def _make_sc_scatter(N, F, nch):
    rps = (N // NS) & ~7
    rem = N - rps * NS
    hch = nch // NHALF
    mesh = plsc.VectorSubcoreMesh(core_axis_name="c", subcore_axis_name="s")

    @functools.partial(
        pl.kernel,
        out_type=jax.ShapeDtypeStruct((NC, N, F), jnp.float32),
        mesh=mesh,
        scratch_types=[
            pltpu.VMEM((nch, CHUNK), jnp.int32),
            pltpu.VMEM((hch, CHUNK), jnp.int32),
            pltpu.VMEM_SHARED((N, F), jnp.float32),
        ]
        + [pltpu.VMEM((CHUNK, F), jnp.float32)] * NBUF
        + [pltpu.SemaphoreType.DMA] * (2 * NBUF),
    )
    def sc_scatter(ht_hbm, hs_hbm, src_hbm, dst_hbm, zrow_hbm, out_hbm,
                   src_v, dst_v, acc_sh, *ring):
        rows = ring[:NBUF]
        gsems = ring[NBUF:2 * NBUF]
        ssems = ring[2 * NBUF:]
        c = lax.axis_index("c")
        s = lax.axis_index("s")
        wid = s * NC + c
        pltpu.sync_copy(src_hbm.at[wid], src_v)
        zr = zrow_hbm.shape[0]

        def init_stripe(lo, n):
            @pl.when(c == 0)
            def _():
                pltpu.sync_copy(hs_hbm.at[pl.ds(lo, n)],
                                acc_sh.at[pl.ds(lo, n)])

            @pl.when(c != 0)
            def _():
                for k in range(0, n, zr):
                    m = min(zr, n - k)
                    pltpu.sync_copy(zrow_hbm.at[pl.ds(0, m)],
                                    acc_sh.at[pl.ds(lo + k, m)])

        init_stripe(s * rps, rps)
        if rem:
            @pl.when(s == NS - 1)
            def _():
                init_stripe(rps * NS, rem)
        plsc.subcore_barrier()

        for b in range(NBUF - 1):
            pltpu.async_copy(ht_hbm.at[src_v.at[b]], rows[b], gsems[b])

        for half in range(NHALF):
            pltpu.sync_copy(dst_hbm.at[wid, pl.ds(half * hch, hch)], dst_v)

            @pl.loop(half * hch, (half + 1) * hch, step=NBUF)
            def _(j0):
                for b in range(NBUF):
                    nb = (b + NBUF - 1) % NBUF
                    nj = j0 + b + NBUF - 1
                    pj = jnp.where(nj < nch, nj, 0)
                    pltpu.async_copy(ht_hbm.at[src_v.at[pj]], rows[nb],
                                     gsems[nb])
                    pltpu.make_async_copy(ht_hbm.at[src_v.at[j0 + b]],
                                          rows[b], gsems[b]).wait()
                    pass

            pass

        fb = (NBUF - 2) % NBUF
        pltpu.make_async_copy(ht_hbm.at[src_v.at[0]], rows[fb],
                              gsems[fb]).wait()

        plsc.subcore_barrier()
        pltpu.sync_copy(acc_sh.at[pl.ds(s * rps, rps)],
                        out_hbm.at[c, pl.ds(s * rps, rps)])
        if rem:
            @pl.when(s == NS - 1)
            def _():
                pltpu.sync_copy(acc_sh.at[pl.ds(rps * NS, rem)],
                                out_hbm.at[c, pl.ds(rps * NS, rem)])

    return sc_scatter


def kernel(h, edge_index, group_labels, W_self, W_groups):
    N, F = h.shape
    E = edge_index.shape[1]
    per_w_quantum = CHUNK * NBUF * NHALF
    e_per_w = -(-E // (NW * per_w_quantum)) * per_w_quantum
    nch = e_per_w // CHUNK
    e_pad = NW * e_per_w

    ht, hs = pl.pallas_call(
        _group_transform_body,
        out_shape=(jax.ShapeDtypeStruct((N + PAD, F), jnp.float32),
                   jax.ShapeDtypeStruct((N, F), jnp.float32)),
    )(h, group_labels.reshape(N, 1), W_groups, W_self)

    src = jnp.concatenate(
        [edge_index[0], jnp.full((e_pad - E,), N, jnp.int32)]
    ).reshape(NW, nch, CHUNK)
    dst = jnp.concatenate(
        [edge_index[1], jnp.arange(e_pad - E, dtype=jnp.int32) % N]
    ).reshape(NW, nch, CHUNK)
    zrow = jnp.zeros((128, F), jnp.float32)
    partials = _make_sc_scatter(N, F, nch)(ht, hs, src, dst, zrow)

    out = pl.pallas_call(
        _final_body,
        out_shape=jax.ShapeDtypeStruct((N, F), jnp.float32),
    )(partials)
    return out

# --- scband reference (transcript-rebuilt; emitter-appended) ---
"""Pipeline reference for scband-dgagnnlayer-3736621547759 (READ-ONLY COPY).

The authoritative reference and input builder live on the scoring server;
editing this copy changes nothing except your own understanding.
"""

import jax, jax.numpy as jnp
import numpy as np

N = 10000
E = 320000
F_IN = 128
F_OUT = 128
G = 2


def setup_inputs(seed: int = 0) -> dict:
    key = jax.random.key(seed)
    k1, k2, k3, k4, k5 = jax.random.split(key, 5)
    h = jax.random.normal(k1, (N, F_IN), dtype=jnp.float32)
    edge_index = jax.random.randint(k2, (2, E), 0, N, dtype=jnp.int32)
    group_labels = jax.random.randint(k3, (N,), 0, G, dtype=jnp.int32)
    # learned params: nn.Linear(in, out, bias=False) weight shape [out, in]
    scale_self = 1.0 / np.sqrt(F_IN)
    W_self = jax.random.uniform(k4, (F_OUT, F_IN), dtype=jnp.float32, minval=-scale_self, maxval=scale_self)
    W_groups = jax.random.uniform(k5, (G, F_OUT, F_IN), dtype=jnp.float32, minval=-scale_self, maxval=scale_self)
    return {"h": h, "edge_index": edge_index, "group_labels": group_labels, "W_self": W_self, "W_groups": W_groups}


def reference(h, edge_index, group_labels, W_self, W_groups):
    # DGL semantics: each edge (src -> dst) carries message m = h[src] and group = group_labels[src].
    # At each dst node, messages are transformed by the per-group linear map W_groups[group]
    # and summed (scatter_add). Since the transform is linear, we can equivalently transform
    # every node's features under every group transform once, then gather per edge.
    src = edge_index[0]
    dst = edge_index[1]
    # [G, N, F_OUT]: h @ W_g^T for each group g
    h_trans = jnp.einsum('nf,gof->gno', h, W_groups)
    # per-edge message transformed by the source node's group transform
    msgs = h_trans[group_labels[src], src]  # [E, F_OUT]
    # scatter-add into destination nodes (zero for isolated nodes, matching DGL default)
    h_agg = jax.ops.segment_sum(msgs, dst, num_segments=h.shape[0])
    h_self = h @ W_self.T
    return h_self + h_agg

if __name__ == "__main__":
    import jax
    _d = setup_inputs()
    print(jax.jit(kernel)(*tuple(_d.values())))

</pallas_src>

<mosaic_0001>
#map = affine_map<(d0, d1) -> (0, 0)>
#map1 = affine_map<(d0, d1) -> (0, 0, 0)>
module attributes {stable_mosaic.version = 14 : i64} {
  func.func @sc_scatter(%arg0: i32, %arg1: i32, %arg2: memref<10008x128xf32, #tpu.memory_space<hbm>>, %arg3: memref<10000x128xf32, #tpu.memory_space<hbm>>, %arg4: memref<32x80x125xi32, #tpu.memory_space<hbm>>, %arg5: memref<32x80x125xi32, #tpu.memory_space<hbm>>, %arg6: memref<128x128xf32, #tpu.memory_space<hbm>>, %arg7: memref<2x10000x128xf32, #tpu.memory_space<hbm>>, %arg8: memref<80x125xi32, #tpu.memory_space<vmem>>, %arg9: memref<40x125xi32, #tpu.memory_space<vmem>>, %arg10: memref<10000x128xf32, #tpu.memory_space<vmem_shared>>, %arg11: memref<125x128xf32, #tpu.memory_space<vmem>>, %arg12: memref<125x128xf32, #tpu.memory_space<vmem>>, %arg13: memref<!tpu.dma_semaphore, #tpu.memory_space<semaphore_mem>>, %arg14: memref<!tpu.dma_semaphore, #tpu.memory_space<semaphore_mem>>, %arg15: memref<!tpu.dma_semaphore, #tpu.memory_space<semaphore_mem>>, %arg16: memref<!tpu.dma_semaphore, #tpu.memory_space<semaphore_mem>>) attributes {dimension_semantics = [#tpu.dimension_semantics<core_parallel>, #tpu.dimension_semantics<subcore_parallel>], iteration_bounds = array<i64: 2, 16>, scalar_prefetch = 0 : i64, scratch_operands = 9 : i64, tpu.core_type = #tpu.core_type<sc_vector_subcore>, window_params = [{transform_indices = #map}, {transform_indices = #map}, {transform_indices = #map1}, {transform_indices = #map1}, {transform_indices = #map}, {transform_indices = #map1}]} {
    %mul3A = arith.constant 2 : i32
    %mul3A_0 = arith.muli %arg1, %mul3A : i32
    %add3A = arith.addi %mul3A_0, %arg0 : i32
    "tpu.region"() ({
      %run_scoped3A = tpu.sem_alloc : memref<!tpu.dma_semaphore, #tpu.memory_space<semaphore_mem>>
      %dma_start3A_45 = arith.constant 0 : i32
      %dma_start3A_46 = arith.constant 0 : i32
      %dma_start3A_47 = tpu.memref_slice %arg4[%add3A, %dma_start3A_45, %dma_start3A_46] : memref<32x80x125xi32, #tpu.memory_space<hbm>> -> memref<1x80x125xi32, #tpu.memory_space<hbm>>
      %dma_start3A_48 = tpu.memref_squeeze %dma_start3A_47 : memref<1x80x125xi32, #tpu.memory_space<hbm>> -> memref<80x125xi32, #tpu.memory_space<hbm>>
      %dma_start3A_49 = arith.constant 0 : i32
      %dma_start3A_50 = arith.constant 0 : i32
      %dma_start3A_51 = tpu.memref_slice %arg4[%add3A, %dma_start3A_49, %dma_start3A_50] : memref<32x80x125xi32, #tpu.memory_space<hbm>> -> memref<1x80x125xi32, #tpu.memory_space<hbm>>
      %dma_start3A_52 = tpu.memref_squeeze %dma_start3A_51 : memref<1x80x125xi32, #tpu.memory_space<hbm>> -> memref<80x125xi32, #tpu.memory_space<hbm>>
      tpu.enqueue_dma source(%dma_start3A_52 : memref<80x125xi32, #tpu.memory_space<hbm>>) target(%arg8 : memref<80x125xi32, #tpu.memory_space<vmem>>) target_semaphore(%run_scoped3A : memref<!tpu.dma_semaphore, #tpu.memory_space<semaphore_mem>>)
      %dma_wait3A_53 = arith.constant 0 : i32
      %dma_wait3A_54 = arith.constant 0 : i32
      %dma_wait3A_55 = tpu.memref_slice %arg4[%add3A, %dma_wait3A_53, %dma_wait3A_54] : memref<32x80x125xi32, #tpu.memory_space<hbm>> -> memref<1x80x125xi32, #tpu.memory_space<hbm>>
      %dma_wait3A_56 = tpu.memref_squeeze %dma_wait3A_55 : memref<1x80x125xi32, #tpu.memory_space<hbm>> -> memref<80x125xi32, #tpu.memory_space<hbm>>
      %dma_wait3A_57 = arith.constant 0 : i32
      %dma_wait3A_58 = arith.constant 0 : i32
      %dma_wait3A_59 = tpu.memref_slice %arg4[%add3A, %dma_wait3A_57, %dma_wait3A_58] : memref<32x80x125xi32, #tpu.memory_space<hbm>> -> memref<1x80x125xi32, #tpu.memory_space<hbm>>
      %dma_wait3A_60 = tpu.memref_squeeze %dma_wait3A_59 : memref<1x80x125xi32, #tpu.memory_space<hbm>> -> memref<80x125xi32, #tpu.memory_space<hbm>>
      tpu.wait_dma2 semaphore(%run_scoped3A : memref<!tpu.dma_semaphore, #tpu.memory_space<semaphore_mem>>) src(%dma_wait3A_60 : memref<80x125xi32, #tpu.memory_space<hbm>>) dst(%arg8 : memref<80x125xi32, #tpu.memory_space<vmem>>)
      tpu.yield
    }) : () -> ()
    %mul3A_1 = arith.constant 624 : i32
    %mul3A_2 = arith.muli %arg1, %mul3A_1 : i32
    %eq3A = arith.constant 0 : i32
    %eq3A_3 = arith.cmpi eq, %arg0, %eq3A : i32
    %convert_element_type3A = arith.extui %eq3A_3 : i1 to i32
    %cond3A = arith.constant 0 : i32
    %cond3A_4 = arith.cmpi ne, %convert_element_type3A, %cond3A : i32
    scf.if %cond3A_4 {
      "tpu.region"() ({
        %run_scoped3A = tpu.sem_alloc : memref<!tpu.dma_semaphore, #tpu.memory_space<semaphore_mem>>
        %dma_start3A_45 = arith.constant 0 : i32
        %dma_start3A_46 = tpu.memref_slice %arg10[%mul3A_2, %dma_start3A_45] : memref<10000x128xf32, #tpu.memory_space<vmem_shared>> -> memref<624x128xf32, #tpu.memory_space<vmem_shared>>
        %dma_start3A_47 = arith.constant 0 : i32
        %dma_start3A_48 = tpu.memref_slice %arg3[%mul3A_2, %dma_start3A_47] : memref<10000x128xf32, #tpu.memory_space<hbm>> -> memref<624x128xf32, #tpu.memory_space<hbm>>
        tpu.enqueue_dma source(%dma_start3A_48 : memref<624x128xf32, #tpu.memory_space<hbm>>) target(%dma_start3A_46 : memref<624x128xf32, #tpu.memory_space<vmem_shared>>) target_semaphore(%run_scoped3A : memref<!tpu.dma_semaphore, #tpu.memory_space<semaphore_mem>>)
        %dma_wait3A_49 = arith.constant 0 : i32
        %dma_wait3A_50 = tpu.memref_slice %arg10[%mul3A_2, %dma_wait3A_49] : memref<10000x128xf32, #tpu.memory_space<vmem_shared>> -> memref<624x128xf32, #tpu.memory_space<vmem_shared>>
        %dma_wait3A_51 = arith.constant 0 : i32
        %dma_wait3A_52 = tpu.memref_slice %arg3[%mul3A_2, %dma_wait3A_51] : memref<10000x128xf32, #tpu.memory_space<hbm>> -> memref<624x128xf32, #tpu.memory_space<hbm>>
        tpu.wait_dma2 semaphore(%run_scoped3A : memref<!tpu.dma_semaphore, #tpu.memory_space<semaphore_mem>>) src(%dma_wait3A_52 : memref<624x128xf32, #tpu.memory_space<hbm>>) dst(%dma_wait3A_50 : memref<624x128xf32, #tpu.memory_space<vmem_shared>>)
        tpu.yield
      }) : () -> ()
    } else {
    }
    %ne3A = arith.constant 0 : i32
    %ne3A_5 = arith.cmpi ne, %arg0, %ne3A : i32
    %convert_element_type3A_6 = arith.extui %ne3A_5 : i1 to i32
    %cond3A_7 = arith.constant 0 : i32
    %cond3A_8 = arith.cmpi ne, %convert_element_type3A_6, %cond3A_7 : i32
    scf.if %cond3A_8 {
      %add3A_45 = arith.constant 0 : i32
      %add3A_46 = arith.addi %mul3A_2, %add3A_45 : i32
      "tpu.region"() ({
        %run_scoped3A = tpu.sem_alloc : memref<!tpu.dma_semaphore, #tpu.memory_space<semaphore_mem>>
        %dma_start3A_55 = arith.constant 0 : i32
        %dma_start3A_56 = tpu.memref_slice %arg10[%add3A_46, %dma_start3A_55] : memref<10000x128xf32, #tpu.memory_space<vmem_shared>> -> memref<128x128xf32, #tpu.memory_space<vmem_shared>>
        %dma_start3A_57 = arith.constant 0 : i32
        %dma_start3A_58 = arith.constant 0 : i32
        %dma_start3A_59 = tpu.memref_slice %arg6[%dma_start3A_57, %dma_start3A_58] : memref<128x128xf32, #tpu.memory_space<hbm>> -> memref<128x128xf32, #tpu.memory_space<hbm>>
        tpu.enqueue_dma source(%dma_start3A_59 : memref<128x128xf32, #tpu.memory_space<hbm>>) target(%dma_start3A_56 : memref<128x128xf32, #tpu.memory_space<vmem_shared>>) target_semaphore(%run_scoped3A : memref<!tpu.dma_semaphore, #tpu.memory_space<semaphore_mem>>)
        %dma_wait3A_60 = arith.constant 0 : i32
        %dma_wait3A_61 = tpu.memref_slice %arg10[%add3A_46, %dma_wait3A_60] : memref<10000x128xf32, #tpu.memory_space<vmem_shared>> -> memref<128x128xf32, #tpu.memory_space<vmem_shared>>
        %dma_wait3A_62 = arith.constant 0 : i32
        %dma_wait3A_63 = arith.constant 0 : i32
        %dma_wait3A_64 = tpu.memref_slice %arg6[%dma_wait3A_62, %dma_wait3A_63] : memref<128x128xf32, #tpu.memory_space<hbm>> -> memref<128x128xf32, #tpu.memory_space<hbm>>
        tpu.wait_dma2 semaphore(%run_scoped3A : memref<!tpu.dma_semaphore, #tpu.memory_space<semaphore_mem>>) src(%dma_wait3A_64 : memref<128x128xf32, #tpu.memory_space<hbm>>) dst(%dma_wait3A_61 : memref<128x128xf32, #tpu.memory_space<vmem_shared>>)
        tpu.yield
      }) : () -> ()
      %add3A_47 = arith.constant 128 : i32
      %add3A_48 = arith.addi %mul3A_2, %add3A_47 : i32
      "tpu.region"() ({
        %run_scoped3A = tpu.sem_alloc : memref<!tpu.dma_semaphore, #tpu.memory_space<semaphore_mem>>
        %dma_start3A_55 = arith.constant 0 : i32
        %dma_start3A_56 = tpu.memref_slice %arg10[%add3A_48, %dma_start3A_55] : memref<10000x128xf32, #tpu.memory_space<vmem_shared>> -> memref<128x128xf32, #tpu.memory_space<vmem_shared>>
        %dma_start3A_57 = arith.constant 0 : i32
        %dma_start3A_58 = arith.constant 0 : i32
        %dma_start3A_59 = tpu.memref_slice %arg6[%dma_start3A_57, %dma_start3A_58] : memref<128x128xf32, #tpu.memory_space<hbm>> -> memref<128x128xf32, #tpu.memory_space<hbm>>
        tpu.enqueue_dma source(%dma_start3A_59 : memref<128x128xf32, #tpu.memory_space<hbm>>) target(%dma_start3A_56 : memref<128x128xf32, #tpu.memory_space<vmem_shared>>) target_semaphore(%run_scoped3A : memref<!tpu.dma_semaphore, #tpu.memory_space<semaphore_mem>>)
        %dma_wait3A_60 = arith.constant 0 : i32
        %dma_wait3A_61 = tpu.memref_slice %arg10[%add3A_48, %dma_wait3A_60] : memref<10000x128xf32, #tpu.memory_space<vmem_shared>> -> memref<128x128xf32, #tpu.memory_space<vmem_shared>>
        %dma_wait3A_62 = arith.constant 0 : i32
        %dma_wait3A_63 = arith.constant 0 : i32
        %dma_wait3A_64 = tpu.memref_slice %arg6[%dma_wait3A_62, %dma_wait3A_63] : memref<128x128xf32, #tpu.memory_space<hbm>> -> memref<128x128xf32, #tpu.memory_space<hbm>>
        tpu.wait_dma2 semaphore(%run_scoped3A : memref<!tpu.dma_semaphore, #tpu.memory_space<semaphore_mem>>) src(%dma_wait3A_64 : memref<128x128xf32, #tpu.memory_space<hbm>>) dst(%dma_wait3A_61 : memref<128x128xf32, #tpu.memory_space<vmem_shared>>)
        tpu.yield
      }) : () -> ()
      %add3A_49 = arith.constant 256 : i32
      %add3A_50 = arith.addi %mul3A_2, %add3A_49 : i32
      "tpu.region"() ({
        %run_scoped3A = tpu.sem_alloc : memref<!tpu.dma_semaphore, #tpu.memory_space<semaphore_mem>>
        %dma_start3A_55 = arith.constant 0 : i32
        %dma_start3A_56 = tpu.memref_slice %arg10[%add3A_50, %dma_start3A_55] : memref<10000x128xf32, #tpu.memory_space<vmem_shared>> -> memref<128x128xf32, #tpu.memory_space<vmem_shared>>
        %dma_start3A_57 = arith.constant 0 : i32
        %dma_start3A_58 = arith.constant 0 : i32
        %dma_start3A_59 = tpu.memref_slice %arg6[%dma_start3A_57, %dma_start3A_58] : memref<128x128xf32, #tpu.memory_space<hbm>> -> memref<128x128xf32, #tpu.memory_space<hbm>>
        tpu.enqueue_dma source(%dma_start3A_59 : memref<128x128xf32, #tpu.memory_space<hbm>>) target(%dma_start3A_56 : memref<128x128xf32, #tpu.memory_space<vmem_shared>>) target_semaphore(%run_scoped3A : memref<!tpu.dma_semaphore, #tpu.memory_space<semaphore_mem>>)
        %dma_wait3A_60 = arith.constant 0 : i32
        %dma_wait3A_61 = tpu.memref_slice %arg10[%add3A_50, %dma_wait3A_60] : memref<10000x128xf32, #tpu.memory_space<vmem_shared>> -> memref<128x128xf32, #tpu.memory_space<vmem_shared>>
        %dma_wait3A_62 = arith.constant 0 : i32
        %dma_wait3A_63 = arith.constant 0 : i32
        %dma_wait3A_64 = tpu.memref_slice %arg6[%dma_wait3A_62, %dma_wait3A_63] : memref<128x128xf32, #tpu.memory_space<hbm>> -> memref<128x128xf32, #tpu.memory_space<hbm>>
        tpu.wait_dma2 semaphore(%run_scoped3A : memref<!tpu.dma_semaphore, #tpu.memory_space<semaphore_mem>>) src(%dma_wait3A_64 : memref<128x128xf32, #tpu.memory_space<hbm>>) dst(%dma_wait3A_61 : memref<128x128xf32, #tpu.memory_space<vmem_shared>>)
        tpu.yield
      }) : () -> ()
      %add3A_51 = arith.constant 384 : i32
      %add3A_52 = arith.addi %mul3A_2, %add3A_51 : i32
      "tpu.region"() ({
        %run_scoped3A = tpu.sem_alloc : memref<!tpu.dma_semaphore, #tpu.memory_space<semaphore_mem>>
        %dma_start3A_55 = arith.constant 0 : i32
        %dma_start3A_56 = tpu.memref_slice %arg10[%add3A_52, %dma_start3A_55] : memref<10000x128xf32, #tpu.memory_space<vmem_shared>> -> memref<128x128xf32, #tpu.memory_space<vmem_shared>>
        %dma_start3A_57 = arith.constant 0 : i32
        %dma_start3A_58 = arith.constant 0 : i32
        %dma_start3A_59 = tpu.memref_slice %arg6[%dma_start3A_57, %dma_start3A_58] : memref<128x128xf32, #tpu.memory_space<hbm>> -> memref<128x128xf32, #tpu.memory_space<hbm>>
        tpu.enqueue_dma source(%dma_start3A_59 : memref<128x128xf32, #tpu.memory_space<hbm>>) target(%dma_start3A_56 : memref<128x128xf32, #tpu.memory_space<vmem_shared>>) target_semaphore(%run_scoped3A : memref<!tpu.dma_semaphore, #tpu.memory_space<semaphore_mem>>)
        %dma_wait3A_60 = arith.constant 0 : i32
        %dma_wait3A_61 = tpu.memref_slice %arg10[%add3A_52, %dma_wait3A_60] : memref<10000x128xf32, #tpu.memory_space<vmem_shared>> -> memref<128x128xf32, #tpu.memory_space<vmem_shared>>
        %dma_wait3A_62 = arith.constant 0 : i32
        %dma_wait3A_63 = arith.constant 0 : i32
        %dma_wait3A_64 = tpu.memref_slice %arg6[%dma_wait3A_62, %dma_wait3A_63] : memref<128x128xf32, #tpu.memory_space<hbm>> -> memref<128x128xf32, #tpu.memory_space<hbm>>
        tpu.wait_dma2 semaphore(%run_scoped3A : memref<!tpu.dma_semaphore, #tpu.memory_space<semaphore_mem>>) src(%dma_wait3A_64 : memref<128x128xf32, #tpu.memory_space<hbm>>) dst(%dma_wait3A_61 : memref<128x128xf32, #tpu.memory_space<vmem_shared>>)
        tpu.yield
      }) : () -> ()
      %add3A_53 = arith.constant 512 : i32
      %add3A_54 = arith.addi %mul3A_2, %add3A_53 : i32
      "tpu.region"() ({
        %run_scoped3A = tpu.sem_alloc : memref<!tpu.dma_semaphore, #tpu.memory_space<semaphore_mem>>
        %dma_start3A_55 = arith.constant 0 : i32
        %dma_start3A_56 = tpu.memref_slice %arg10[%add3A_54, %dma_start3A_55] : memref<10000x128xf32, #tpu.memory_space<vmem_shared>> -> memref<112x128xf32, #tpu.memory_space<vmem_shared>>
        %dma_start3A_57 = arith.constant 0 : i32
        %dma_start3A_58 = arith.constant 0 : i32
        %dma_start3A_59 = tpu.memref_slice %arg6[%dma_start3A_57, %dma_start3A_58] : memref<128x128xf32, #tpu.memory_space<hbm>> -> memref<112x128xf32, #tpu.memory_space<hbm>>
        tpu.enqueue_dma source(%dma_start3A_59 : memref<112x128xf32, #tpu.memory_space<hbm>>) target(%dma_start3A_56 : memref<112x128xf32, #tpu.memory_space<vmem_shared>>) target_semaphore(%run_scoped3A : memref<!tpu.dma_semaphore, #tpu.memory_space<semaphore_mem>>)
        %dma_wait3A_60 = arith.constant 0 : i32
        %dma_wait3A_61 = tpu.memref_slice %arg10[%add3A_54, %dma_wait3A_60] : memref<10000x128xf32, #tpu.memory_space<vmem_shared>> -> memref<112x128xf32, #tpu.memory_space<vmem_shared>>
        %dma_wait3A_62 = arith.constant 0 : i32
        %dma_wait3A_63 = arith.constant 0 : i32
        %dma_wait3A_64 = tpu.memref_slice %arg6[%dma_wait3A_62, %dma_wait3A_63] : memref<128x128xf32, #tpu.memory_space<hbm>> -> memref<112x128xf32, #tpu.memory_space<hbm>>
        tpu.wait_dma2 semaphore(%run_scoped3A : memref<!tpu.dma_semaphore, #tpu.memory_space<semaphore_mem>>) src(%dma_wait3A_64 : memref<112x128xf32, #tpu.memory_space<hbm>>) dst(%dma_wait3A_61 : memref<112x128xf32, #tpu.memory_space<vmem_shared>>)
        tpu.yield
      }) : () -> ()
    } else {
    }
    %eq3A_9 = arith.constant 15 : i32
    %eq3A_10 = arith.cmpi eq, %arg1, %eq3A_9 : i32
    %convert_element_type3A_11 = arith.extui %eq3A_10 : i1 to i32
    %cond3A_12 = arith.constant 0 : i32
    %cond3A_13 = arith.cmpi ne, %convert_element_type3A_11, %cond3A_12 : i32
    scf.if %cond3A_13 {
      %eq3A_45 = arith.constant 0 : i32
      %eq3A_46 = arith.cmpi eq, %arg0, %eq3A_45 : i32
      %convert_element_type3A_47 = arith.extui %eq3A_46 : i1 to i32
      %cond3A_48 = arith.constant 0 : i32
      %cond3A_49 = arith.cmpi ne, %convert_element_type3A_47, %cond3A_48 : i32
      scf.if %cond3A_49 {
        "tpu.region"() ({
          %run_scoped3A = tpu.sem_alloc : memref<!tpu.dma_semaphore, #tpu.memory_space<semaphore_mem>>
          %dma_start3A_55 = arith.constant 9984 : i32
          %dma_start3A_56 = arith.constant 0 : i32
          %dma_start3A_57 = tpu.memref_slice %arg10[%dma_start3A_55, %dma_start3A_56] : memref<10000x128xf32, #tpu.memory_space<vmem_shared>> -> memref<16x128xf32, #tpu.memory_space<vmem_shared>>
          %dma_start3A_58 = arith.constant 9984 : i32
          %dma_start3A_59 = arith.constant 0 : i32
          %dma_start3A_60 = tpu.memref_slice %arg3[%dma_start3A_58, %dma_start3A_59] : memref<10000x128xf32, #tpu.memory_space<hbm>> -> memref<16x128xf32, #tpu.memory_space<hbm>>
          tpu.enqueue_dma source(%dma_start3A_60 : memref<16x128xf32, #tpu.memory_space<hbm>>) target(%dma_start3A_57 : memref<16x128xf32, #tpu.memory_space<vmem_shared>>) target_semaphore(%run_scoped3A : memref<!tpu.dma_semaphore, #tpu.memory_space<semaphore_mem>>)
          %dma_wait3A_61 = arith.constant 9984 : i32
          %dma_wait3A_62 = arith.constant 0 : i32
          %dma_wait3A_63 = tpu.memref_slice %arg10[%dma_wait3A_61, %dma_wait3A_62] : memref<10000x128xf32, #tpu.memory_space<vmem_shared>> -> memref<16x128xf32, #tpu.memory_space<vmem_shared>>
          %dma_wait3A_64 = arith.constant 9984 : i32
          %dma_wait3A_65 = arith.constant 0 : i32
          %dma_wait3A_66 = tpu.memref_slice %arg3[%dma_wait3A_64, %dma_wait3A_65] : memref<10000x128xf32, #tpu.memory_space<hbm>> -> memref<16x128xf32, #tpu.memory_space<hbm>>
          tpu.wait_dma2 semaphore(%run_scoped3A : memref<!tpu.dma_semaphore, #tpu.memory_space<semaphore_mem>>) src(%dma_wait3A_66 : memref<16x128xf32, #tpu.memory_space<hbm>>) dst(%dma_wait3A_63 : memref<16x128xf32, #tpu.memory_space<vmem_shared>>)
          tpu.yield
        }) : () -> ()
      } else {
      }
      %ne3A_50 = arith.constant 0 : i32
      %ne3A_51 = arith.cmpi ne, %arg0, %ne3A_50 : i32
      %convert_element_type3A_52 = arith.extui %ne3A_51 : i1 to i32
      %cond3A_53 = arith.constant 0 : i32
      %cond3A_54 = arith.cmpi ne, %convert_element_type3A_52, %cond3A_53 : i32
      scf.if %cond3A_54 {
        "tpu.region"() ({
          %run_scoped3A = tpu.sem_alloc : memref<!tpu.dma_semaphore, #tpu.memory_space<semaphore_mem>>
          %dma_start3A_55 = arith.constant 9984 : i32
          %dma_start3A_56 = arith.constant 0 : i32
          %dma_start3A_57 = tpu.memref_slice %arg10[%dma_start3A_55, %dma_start3A_56] : memref<10000x128xf32, #tpu.memory_space<vmem_shared>> -> memref<16x128xf32, #tpu.memory_space<vmem_shared>>
          %dma_start3A_58 = arith.constant 0 : i32
          %dma_start3A_59 = arith.constant 0 : i32
          %dma_start3A_60 = tpu.memref_slice %arg6[%dma_start3A_58, %dma_start3A_59] : memref<128x128xf32, #tpu.memory_space<hbm>> -> memref<16x128xf32, #tpu.memory_space<hbm>>
          tpu.enqueue_dma source(%dma_start3A_60 : memref<16x128xf32, #tpu.memory_space<hbm>>) target(%dma_start3A_57 : memref<16x128xf32, #tpu.memory_space<vmem_shared>>) target_semaphore(%run_scoped3A : memref<!tpu.dma_semaphore, #tpu.memory_space<semaphore_mem>>)
          %dma_wait3A_61 = arith.constant 9984 : i32
          %dma_wait3A_62 = arith.constant 0 : i32
          %dma_wait3A_63 = tpu.memref_slice %arg10[%dma_wait3A_61, %dma_wait3A_62] : memref<10000x128xf32, #tpu.memory_space<vmem_shared>> -> memref<16x128xf32, #tpu.memory_space<vmem_shared>>
          %dma_wait3A_64 = arith.constant 0 : i32
          %dma_wait3A_65 = arith.constant 0 : i32
          %dma_wait3A_66 = tpu.memref_slice %arg6[%dma_wait3A_64, %dma_wait3A_65] : memref<128x128xf32, #tpu.memory_space<hbm>> -> memref<16x128xf32, #tpu.memory_space<hbm>>
          tpu.wait_dma2 semaphore(%run_scoped3A : memref<!tpu.dma_semaphore, #tpu.memory_space<semaphore_mem>>) src(%dma_wait3A_66 : memref<16x128xf32, #tpu.memory_space<hbm>>) dst(%dma_wait3A_63 : memref<16x128xf32, #tpu.memory_space<vmem_shared>>)
          tpu.yield
        }) : () -> ()
      } else {
      }
    } else {
    }
    %barrier3A = arith.constant 0 : index
    tpu.barrier barrier_id(%barrier3A)
    %dma_start3A = arith.constant 0 : i32
    %dma_start3A_14 = arith.constant 0 : i32
    %dma_start3A_15 = tpu.memref_slice %arg8[%dma_start3A, %dma_start3A_14] : memref<80x125xi32, #tpu.memory_space<vmem>> -> memref<1x125xi32, #tpu.memory_space<vmem>>
    %dma_start3A_16 = tpu.memref_squeeze %dma_start3A_15 : memref<1x125xi32, #tpu.memory_space<vmem>> -> memref<125xi32, #tpu.memory_space<vmem>>
    %dma_start3A_17 = arith.constant 0 : i32
    %dma_start3A_18 = arith.constant 0 : i32
    %dma_start3A_19 = tpu.memref_slice %arg2[%dma_start3A_17, %dma_start3A_18] : memref<10008x128xf32, #tpu.memory_space<hbm>> -> memref<10008x128xf32, #tpu.memory_space<hbm>>
    tpu.enqueue_indirect_dma source(%dma_start3A_19 : memref<10008x128xf32, #tpu.memory_space<hbm>>) target(%arg11 : memref<125x128xf32, #tpu.memory_space<vmem>>) offsets(%dma_start3A_16 : memref<125xi32, #tpu.memory_space<vmem>>) semaphore(%arg13 : memref<!tpu.dma_semaphore, #tpu.memory_space<semaphore_mem>>)
    "tpu.region"() ({
      %run_scoped3A = tpu.sem_alloc : memref<!tpu.dma_semaphore, #tpu.memory_space<semaphore_mem>>
      %dma_start3A_45 = arith.constant 0 : i32
      %dma_start3A_46 = arith.constant 0 : i32
      %dma_start3A_47 = tpu.memref_slice %arg5[%add3A, %dma_start3A_45, %dma_start3A_46] : memref<32x80x125xi32, #tpu.memory_space<hbm>> -> memref<1x40x125xi32, #tpu.memory_space<hbm>>
      %dma_start3A_48 = tpu.memref_squeeze %dma_start3A_47 : memref<1x40x125xi32, #tpu.memory_space<hbm>> -> memref<40x125xi32, #tpu.memory_space<hbm>>
      %dma_start3A_49 = arith.constant 0 : i32
      %dma_start3A_50 = arith.constant 0 : i32
      %dma_start3A_51 = tpu.memref_slice %arg5[%add3A, %dma_start3A_49, %dma_start3A_50] : memref<32x80x125xi32, #tpu.memory_space<hbm>> -> memref<1x40x125xi32, #tpu.memory_space<hbm>>
      %dma_start3A_52 = tpu.memref_squeeze %dma_start3A_51 : memref<1x40x125xi32, #tpu.memory_space<hbm>> -> memref<40x125xi32, #tpu.memory_space<hbm>>
      tpu.enqueue_dma source(%dma_start3A_52 : memref<40x125xi32, #tpu.memory_space<hbm>>) target(%arg9 : memref<40x125xi32, #tpu.memory_space<vmem>>) target_semaphore(%run_scoped3A : memref<!tpu.dma_semaphore, #tpu.memory_space<semaphore_mem>>)
      %dma_wait3A_53 = arith.constant 0 : i32
      %dma_wait3A_54 = arith.constant 0 : i32
      %dma_wait3A_55 = tpu.memref_slice %arg5[%add3A, %dma_wait3A_53, %dma_wait3A_54] : memref<32x80x125xi32, #tpu.memory_space<hbm>> -> memref<1x40x125xi32, #tpu.memory_space<hbm>>
      %dma_wait3A_56 = tpu.memref_squeeze %dma_wait3A_55 : memref<1x40x125xi32, #tpu.memory_space<hbm>> -> memref<40x125xi32, #tpu.memory_space<hbm>>
      %dma_wait3A_57 = arith.constant 0 : i32
      %dma_wait3A_58 = arith.constant 0 : i32
      %dma_wait3A_59 = tpu.memref_slice %arg5[%add3A, %dma_wait3A_57, %dma_wait3A_58] : memref<32x80x125xi32, #tpu.memory_space<hbm>> -> memref<1x40x125xi32, #tpu.memory_space<hbm>>
      %dma_wait3A_60 = tpu.memref_squeeze %dma_wait3A_59 : memref<1x40x125xi32, #tpu.memory_space<hbm>> -> memref<40x125xi32, #tpu.memory_space<hbm>>
      tpu.wait_dma2 semaphore(%run_scoped3A : memref<!tpu.dma_semaphore, #tpu.memory_space<semaphore_mem>>) src(%dma_wait3A_60 : memref<40x125xi32, #tpu.memory_space<hbm>>) dst(%arg9 : memref<40x125xi32, #tpu.memory_space<vmem>>)
      tpu.yield
    }) : () -> ()
    %scan3A = arith.constant 0 : i32
    %scan3A_20 = arith.constant 20 : i32
    %scan3A_21 = arith.addi %scan3A, %scan3A_20 : i32
    %scan3A_22 = arith.constant 1 : i32
    scf.for %scan3A_45 = %scan3A to %scan3A_21 step %scan3A_22  : i32 {
      %mul3A_46 = arith.constant 2 : i32
      %mul3A_47 = arith.muli %scan3A_45, %mul3A_46 : i32
      %add3A_48 = arith.constant 0 : i32
      %add3A_49 = arith.addi %add3A_48, %mul3A_47 : i32
      %add3A_50 = arith.constant 0 : i32
      %add3A_51 = arith.addi %add3A_49, %add3A_50 : i32
      %add3A_52 = arith.constant 2 : i32
      %add3A_53 = arith.addi %add3A_51, %add3A_52 : i32
      %sub3A = arith.constant 1 : i32
      %sub3A_54 = arith.subi %add3A_53, %sub3A : i32
      %lt3A = arith.constant 80 : i32
      %lt3A_55 = arith.cmpi slt, %sub3A_54, %lt3A : i32
      %jit3A = arith.constant 0 : i32
      %select_n3A = arith.select %lt3A_55, %sub3A_54, %jit3A : i32
      %dma_start3A_56 = arith.constant 0 : i32
      %dma_start3A_57 = tpu.memref_slice %arg8[%select_n3A, %dma_start3A_56] : memref<80x125xi32, #tpu.memory_space<vmem>> -> memref<1x125xi32, #tpu.memory_space<vmem>>
      %dma_start3A_58 = tpu.memref_squeeze %dma_start3A_57 : memref<1x125xi32, #tpu.memory_space<vmem>> -> memref<125xi32, #tpu.memory_space<vmem>>
      %dma_start3A_59 = arith.constant 0 : i32
      %dma_start3A_60 = arith.constant 0 : i32
      %dma_start3A_61 = tpu.memref_slice %arg2[%dma_start3A_59, %dma_start3A_60] : memref<10008x128xf32, #tpu.memory_space<hbm>> -> memref<10008x128xf32, #tpu.memory_space<hbm>>
      tpu.enqueue_indirect_dma source(%dma_start3A_61 : memref<10008x128xf32, #tpu.memory_space<hbm>>) target(%arg12 : memref<125x128xf32, #tpu.memory_space<vmem>>) offsets(%dma_start3A_58 : memref<125xi32, #tpu.memory_space<vmem>>) semaphore(%arg14 : memref<!tpu.dma_semaphore, #tpu.memory_space<semaphore_mem>>)
      %add3A_62 = arith.constant 0 : i32
      %add3A_63 = arith.addi %add3A_49, %add3A_62 : i32
      %dma_wait3A_64 = arith.constant 0 : i32
      %dma_wait3A_65 = tpu.memref_slice %arg8[%add3A_63, %dma_wait3A_64] : memref<80x125xi32, #tpu.memory_space<vmem>> -> memref<1x125xi32, #tpu.memory_space<vmem>>
      %dma_wait3A_66 = tpu.memref_squeeze %dma_wait3A_65 : memref<1x125xi32, #tpu.memory_space<vmem>> -> memref<125xi32, #tpu.memory_space<vmem>>
      %dma_wait3A_67 = arith.constant 0 : i32
      %dma_wait3A_68 = arith.constant 0 : i32
      %dma_wait3A_69 = tpu.memref_slice %arg2[%dma_wait3A_67, %dma_wait3A_68] : memref<10008x128xf32, #tpu.memory_space<hbm>> -> memref<10008x128xf32, #tpu.memory_space<hbm>>
      tpu.wait_indirect_dma semaphore(%arg13 : memref<!tpu.dma_semaphore, #tpu.memory_space<semaphore_mem>>) src(%dma_wait3A_69 : memref<10008x128xf32, #tpu.memory_space<hbm>>) dst(%arg11 : memref<125x128xf32, #tpu.memory_space<vmem>>)
      %add3A_70 = arith.constant 1 : i32
      %add3A_71 = arith.addi %add3A_49, %add3A_70 : i32
      %add3A_72 = arith.constant 2 : i32
      %add3A_73 = arith.addi %add3A_71, %add3A_72 : i32
      %sub3A_74 = arith.constant 1 : i32
      %sub3A_75 = arith.subi %add3A_73, %sub3A_74 : i32
      %lt3A_76 = arith.constant 80 : i32
      %lt3A_77 = arith.cmpi slt, %sub3A_75, %lt3A_76 : i32
      %jit3A_78 = arith.constant 0 : i32
      %select_n3A_79 = arith.select %lt3A_77, %sub3A_75, %jit3A_78 : i32
      %dma_start3A_80 = arith.constant 0 : i32
      %dma_start3A_81 = tpu.memref_slice %arg8[%select_n3A_79, %dma_start3A_80] : memref<80x125xi32, #tpu.memory_space<vmem>> -> memref<1x125xi32, #tpu.memory_space<vmem>>
      %dma_start3A_82 = tpu.memref_squeeze %dma_start3A_81 : memref<1x125xi32, #tpu.memory_space<vmem>> -> memref<125xi32, #tpu.memory_space<vmem>>
      %dma_start3A_83 = arith.constant 0 : i32
      %dma_start3A_84 = arith.constant 0 : i32
      %dma_start3A_85 = tpu.memref_slice %arg2[%dma_start3A_83, %dma_start3A_84] : memref<10008x128xf32, #tpu.memory_space<hbm>> -> memref<10008x128xf32, #tpu.memory_space<hbm>>
      tpu.enqueue_indirect_dma source(%dma_start3A_85 : memref<10008x128xf32, #tpu.memory_space<hbm>>) target(%arg11 : memref<125x128xf32, #tpu.memory_space<vmem>>) offsets(%dma_start3A_82 : memref<125xi32, #tpu.memory_space<vmem>>) semaphore(%arg13 : memref<!tpu.dma_semaphore, #tpu.memory_space<semaphore_mem>>)
      %add3A_86 = arith.constant 1 : i32
      %add3A_87 = arith.addi %add3A_49, %add3A_86 : i32
      %dma_wait3A_88 = arith.constant 0 : i32
      %dma_wait3A_89 = tpu.memref_slice %arg8[%add3A_87, %dma_wait3A_88] : memref<80x125xi32, #tpu.memory_space<vmem>> -> memref<1x125xi32, #tpu.memory_space<vmem>>
      %dma_wait3A_90 = tpu.memref_squeeze %dma_wait3A_89 : memref<1x125xi32, #tpu.memory_space<vmem>> -> memref<125xi32, #tpu.memory_space<vmem>>
      %dma_wait3A_91 = arith.constant 0 : i32
      %dma_wait3A_92 = arith.constant 0 : i32
      %dma_wait3A_93 = tpu.memref_slice %arg2[%dma_wait3A_91, %dma_wait3A_92] : memref<10008x128xf32, #tpu.memory_space<hbm>> -> memref<10008x128xf32, #tpu.memory_space<hbm>>
      tpu.wait_indirect_dma semaphore(%arg14 : memref<!tpu.dma_semaphore, #tpu.memory_space<semaphore_mem>>) src(%dma_wait3A_93 : memref<10008x128xf32, #tpu.memory_space<hbm>>) dst(%arg12 : memref<125x128xf32, #tpu.memory_space<vmem>>)
    }
    %scan3A_23 = arith.constant 20 : i32
    "tpu.region"() ({
      %run_scoped3A = tpu.sem_alloc : memref<!tpu.dma_semaphore, #tpu.memory_space<semaphore_mem>>
      %dma_start3A_45 = arith.constant 40 : i32
      %dma_start3A_46 = arith.constant 0 : i32
      %dma_start3A_47 = tpu.memref_slice %arg5[%add3A, %dma_start3A_45, %dma_start3A_46] : memref<32x80x125xi32, #tpu.memory_space<hbm>> -> memref<1x40x125xi32, #tpu.memory_space<hbm>>
      %dma_start3A_48 = tpu.memref_squeeze %dma_start3A_47 : memref<1x40x125xi32, #tpu.memory_space<hbm>> -> memref<40x125xi32, #tpu.memory_space<hbm>>
      %dma_start3A_49 = arith.constant 40 : i32
      %dma_start3A_50 = arith.constant 0 : i32
      %dma_start3A_51 = tpu.memref_slice %arg5[%add3A, %dma_start3A_49, %dma_start3A_50] : memref<32x80x125xi32, #tpu.memory_space<hbm>> -> memref<1x40x125xi32, #tpu.memory_space<hbm>>
      %dma_start3A_52 = tpu.memref_squeeze %dma_start3A_51 : memref<1x40x125xi32, #tpu.memory_space<hbm>> -> memref<40x125xi32, #tpu.memory_space<hbm>>
      tpu.enqueue_dma source(%dma_start3A_52 : memref<40x125xi32, #tpu.memory_space<hbm>>) target(%arg9 : memref<40x125xi32, #tpu.memory_space<vmem>>) target_semaphore(%run_scoped3A : memref<!tpu.dma_semaphore, #tpu.memory_space<semaphore_mem>>)
      %dma_wait3A_53 = arith.constant 40 : i32
      %dma_wait3A_54 = arith.constant 0 : i32
      %dma_wait3A_55 = tpu.memref_slice %arg5[%add3A, %dma_wait3A_53, %dma_wait3A_54] : memref<32x80x125xi32, #tpu.memory_space<hbm>> -> memref<1x40x125xi32, #tpu.memory_space<hbm>>
      %dma_wait3A_56 = tpu.memref_squeeze %dma_wait3A_55 : memref<1x40x125xi32, #tpu.memory_space<hbm>> -> memref<40x125xi32, #tpu.memory_space<hbm>>
      %dma_wait3A_57 = arith.constant 40 : i32
      %dma_wait3A_58 = arith.constant 0 : i32
      %dma_wait3A_59 = tpu.memref_slice %arg5[%add3A, %dma_wait3A_57, %dma_wait3A_58] : memref<32x80x125xi32, #tpu.memory_space<hbm>> -> memref<1x40x125xi32, #tpu.memory_space<hbm>>
      %dma_wait3A_60 = tpu.memref_squeeze %dma_wait3A_59 : memref<1x40x125xi32, #tpu.memory_space<hbm>> -> memref<40x125xi32, #tpu.memory_space<hbm>>
      tpu.wait_dma2 semaphore(%run_scoped3A : memref<!tpu.dma_semaphore, #tpu.memory_space<semaphore_mem>>) src(%dma_wait3A_60 : memref<40x125xi32, #tpu.memory_space<hbm>>) dst(%arg9 : memref<40x125xi32, #tpu.memory_space<vmem>>)
      tpu.yield
    }) : () -> ()
    %scan3A_24 = arith.constant 0 : i32
    %scan3A_25 = arith.constant 20 : i32
    %scan3A_26 = arith.addi %scan3A_24, %scan3A_25 : i32
    %scan3A_27 = arith.constant 1 : i32
    scf.for %scan3A_45 = %scan3A_24 to %scan3A_26 step %scan3A_27  : i32 {
      %mul3A_46 = arith.constant 2 : i32
      %mul3A_47 = arith.muli %scan3A_45, %mul3A_46 : i32
      %add3A_48 = arith.constant 40 : i32
      %add3A_49 = arith.addi %add3A_48, %mul3A_47 : i32
      %add3A_50 = arith.constant 0 : i32
      %add3A_51 = arith.addi %add3A_49, %add3A_50 : i32
      %add3A_52 = arith.constant 2 : i32
      %add3A_53 = arith.addi %add3A_51, %add3A_52 : i32
      %sub3A = arith.constant 1 : i32
      %sub3A_54 = arith.subi %add3A_53, %sub3A : i32
      %lt3A = arith.constant 80 : i32
      %lt3A_55 = arith.cmpi slt, %sub3A_54, %lt3A : i32
      %jit3A = arith.constant 0 : i32
      %select_n3A = arith.select %lt3A_55, %sub3A_54, %jit3A : i32
      %dma_start3A_56 = arith.constant 0 : i32
      %dma_start3A_57 = tpu.memref_slice %arg8[%select_n3A, %dma_start3A_56] : memref<80x125xi32, #tpu.memory_space<vmem>> -> memref<1x125xi32, #tpu.memory_space<vmem>>
      %dma_start3A_58 = tpu.memref_squeeze %dma_start3A_57 : memref<1x125xi32, #tpu.memory_space<vmem>> -> memref<125xi32, #tpu.memory_space<vmem>>
      %dma_start3A_59 = arith.constant 0 : i32
      %dma_start3A_60 = arith.constant 0 : i32
      %dma_start3A_61 = tpu.memref_slice %arg2[%dma_start3A_59, %dma_start3A_60] : memref<10008x128xf32, #tpu.memory_space<hbm>> -> memref<10008x128xf32, #tpu.memory_space<hbm>>
      tpu.enqueue_indirect_dma source(%dma_start3A_61 : memref<10008x128xf32, #tpu.memory_space<hbm>>) target(%arg12 : memref<125x128xf32, #tpu.memory_space<vmem>>) offsets(%dma_start3A_58 : memref<125xi32, #tpu.memory_space<vmem>>) semaphore(%arg14 : memref<!tpu.dma_semaphore, #tpu.memory_space<semaphore_mem>>)
      %add3A_62 = arith.constant 0 : i32
      %add3A_63 = arith.addi %add3A_49, %add3A_62 : i32
      %dma_wait3A_64 = arith.constant 0 : i32
      %dma_wait3A_65 = tpu.memref_slice %arg8[%add3A_63, %dma_wait3A_64] : memref<80x125xi32, #tpu.memory_space<vmem>> -> memref<1x125xi32, #tpu.memory_space<vmem>>
      %dma_wait3A_66 = tpu.memref_squeeze %dma_wait3A_65 : memref<1x125xi32, #tpu.memory_space<vmem>> -> memref<125xi32, #tpu.memory_space<vmem>>
      %dma_wait3A_67 = arith.constant 0 : i32
      %dma_wait3A_68 = arith.constant 0 : i32
      %dma_wait3A_69 = tpu.memref_slice %arg2[%dma_wait3A_67, %dma_wait3A_68] : memref<10008x128xf32, #tpu.memory_space<hbm>> -> memref<10008x128xf32, #tpu.memory_space<hbm>>
      tpu.wait_indirect_dma semaphore(%arg13 : memref<!tpu.dma_semaphore, #tpu.memory_space<semaphore_mem>>) src(%dma_wait3A_69 : memref<10008x128xf32, #tpu.memory_space<hbm>>) dst(%arg11 : memref<125x128xf32, #tpu.memory_space<vmem>>)
      %add3A_70 = arith.constant 1 : i32
      %add3A_71 = arith.addi %add3A_49, %add3A_70 : i32
      %add3A_72 = arith.constant 2 : i32
      %add3A_73 = arith.addi %add3A_71, %add3A_72 : i32
      %sub3A_74 = arith.constant 1 : i32
      %sub3A_75 = arith.subi %add3A_73, %sub3A_74 : i32
      %lt3A_76 = arith.constant 80 : i32
      %lt3A_77 = arith.cmpi slt, %sub3A_75, %lt3A_76 : i32
      %jit3A_78 = arith.constant 0 : i32
      %select_n3A_79 = arith.select %lt3A_77, %sub3A_75, %jit3A_78 : i32
      %dma_start3A_80 = arith.constant 0 : i32
      %dma_start3A_81 = tpu.memref_slice %arg8[%select_n3A_79, %dma_start3A_80] : memref<80x125xi32, #tpu.memory_space<vmem>> -> memref<1x125xi32, #tpu.memory_space<vmem>>
      %dma_start3A_82 = tpu.memref_squeeze %dma_start3A_81 : memref<1x125xi32, #tpu.memory_space<vmem>> -> memref<125xi32, #tpu.memory_space<vmem>>
      %dma_start3A_83 = arith.constant 0 : i32
      %dma_start3A_84 = arith.constant 0 : i32
      %dma_start3A_85 = tpu.memref_slice %arg2[%dma_start3A_83, %dma_start3A_84] : memref<10008x128xf32, #tpu.memory_space<hbm>> -> memref<10008x128xf32, #tpu.memory_space<hbm>>
      tpu.enqueue_indirect_dma source(%dma_start3A_85 : memref<10008x128xf32, #tpu.memory_space<hbm>>) target(%arg11 : memref<125x128xf32, #tpu.memory_space<vmem>>) offsets(%dma_start3A_82 : memref<125xi32, #tpu.memory_space<vmem>>) semaphore(%arg13 : memref<!tpu.dma_semaphore, #tpu.memory_space<semaphore_mem>>)
      %add3A_86 = arith.constant 1 : i32
      %add3A_87 = arith.addi %add3A_49, %add3A_86 : i32
      %dma_wait3A_88 = arith.constant 0 : i32
      %dma_wait3A_89 = tpu.memref_slice %arg8[%add3A_87, %dma_wait3A_88] : memref<80x125xi32, #tpu.memory_space<vmem>> -> memref<1x125xi32, #tpu.memory_space<vmem>>
      %dma_wait3A_90 = tpu.memref_squeeze %dma_wait3A_89 : memref<1x125xi32, #tpu.memory_space<vmem>> -> memref<125xi32, #tpu.memory_space<vmem>>
      %dma_wait3A_91 = arith.constant 0 : i32
      %dma_wait3A_92 = arith.constant 0 : i32
      %dma_wait3A_93 = tpu.memref_slice %arg2[%dma_wait3A_91, %dma_wait3A_92] : memref<10008x128xf32, #tpu.memory_space<hbm>> -> memref<10008x128xf32, #tpu.memory_space<hbm>>
      tpu.wait_indirect_dma semaphore(%arg14 : memref<!tpu.dma_semaphore, #tpu.memory_space<semaphore_mem>>) src(%dma_wait3A_93 : memref<10008x128xf32, #tpu.memory_space<hbm>>) dst(%arg12 : memref<125x128xf32, #tpu.memory_space<vmem>>)
    }
    %scan3A_28 = arith.constant 20 : i32
    %dma_wait3A = arith.constant 0 : i32
    %dma_wait3A_29 = arith.constant 0 : i32
    %dma_wait3A_30 = tpu.memref_slice %arg8[%dma_wait3A, %dma_wait3A_29] : memref<80x125xi32, #tpu.memory_space<vmem>> -> memref<1x125xi32, #tpu.memory_space<vmem>>
    %dma_wait3A_31 = tpu.memref_squeeze %dma_wait3A_30 : memref<1x125xi32, #tpu.memory_space<vmem>> -> memref<125xi32, #tpu.memory_space<vmem>>
    %dma_wait3A_32 = arith.constant 0 : i32
    %dma_wait3A_33 = arith.constant 0 : i32
    %dma_wait3A_34 = tpu.memref_slice %arg2[%dma_wait3A_32, %dma_wait3A_33] : memref<10008x128xf32, #tpu.memory_space<hbm>> -> memref<10008x128xf32, #tpu.memory_space<hbm>>
    tpu.wait_indirect_dma semaphore(%arg13 : memref<!tpu.dma_semaphore, #tpu.memory_space<semaphore_mem>>) src(%dma_wait3A_34 : memref<10008x128xf32, #tpu.memory_space<hbm>>) dst(%arg11 : memref<125x128xf32, #tpu.memory_space<vmem>>)
    %barrier3A_35 = arith.constant 0 : index
    tpu.barrier barrier_id(%barrier3A_35)
    %mul3A_36 = arith.constant 624 : i32
    %mul3A_37 = arith.muli %arg1, %mul3A_36 : i32
    %mul3A_38 = arith.constant 624 : i32
    %mul3A_39 = arith.muli %arg1, %mul3A_38 : i32
    "tpu.region"() ({
      %run_scoped3A = tpu.sem_alloc : memref<!tpu.dma_semaphore, #tpu.memory_space<semaphore_mem>>
      %dma_start3A_45 = arith.constant 0 : i32
      %dma_start3A_46 = tpu.memref_slice %arg7[%arg0, %mul3A_39, %dma_start3A_45] : memref<2x10000x128xf32, #tpu.memory_space<hbm>> -> memref<1x624x128xf32, #tpu.memory_space<hbm>>
      %dma_start3A_47 = tpu.memref_squeeze %dma_start3A_46 : memref<1x624x128xf32, #tpu.memory_space<hbm>> -> memref<624x128xf32, #tpu.memory_space<hbm>>
      %dma_start3A_48 = arith.constant 0 : i32
      %dma_start3A_49 = tpu.memref_slice %arg10[%mul3A_37, %dma_start3A_48] : memref<10000x128xf32, #tpu.memory_space<vmem_shared>> -> memref<624x128xf32, #tpu.memory_space<vmem_shared>>
      tpu.enqueue_dma source(%dma_start3A_49 : memref<624x128xf32, #tpu.memory_space<vmem_shared>>) target(%dma_start3A_47 : memref<624x128xf32, #tpu.memory_space<hbm>>) target_semaphore(%run_scoped3A : memref<!tpu.dma_semaphore, #tpu.memory_space<semaphore_mem>>)
      %dma_wait3A_50 = arith.constant 0 : i32
      %dma_wait3A_51 = tpu.memref_slice %arg7[%arg0, %mul3A_39, %dma_wait3A_50] : memref<2x10000x128xf32, #tpu.memory_space<hbm>> -> memref<1x624x128xf32, #tpu.memory_space<hbm>>
      %dma_wait3A_52 = tpu.memref_squeeze %dma_wait3A_51 : memref<1x624x128xf32, #tpu.memory_space<hbm>> -> memref<624x128xf32, #tpu.memory_space<hbm>>
      %dma_wait3A_53 = arith.constant 0 : i32
      %dma_wait3A_54 = tpu.memref_slice %arg10[%mul3A_37, %dma_wait3A_53] : memref<10000x128xf32, #tpu.memory_space<vmem_shared>> -> memref<624x128xf32, #tpu.memory_space<vmem_shared>>
      tpu.wait_dma2 semaphore(%run_scoped3A : memref<!tpu.dma_semaphore, #tpu.memory_space<semaphore_mem>>) src(%dma_wait3A_54 : memref<624x128xf32, #tpu.memory_space<vmem_shared>>) dst(%dma_wait3A_52 : memref<624x128xf32, #tpu.memory_space<hbm>>)
      tpu.yield
    }) : () -> ()
    %eq3A_40 = arith.constant 15 : i32
    %eq3A_41 = arith.cmpi eq, %arg1, %eq3A_40 : i32
    %convert_element_type3A_42 = arith.extui %eq3A_41 : i1 to i32
    %cond3A_43 = arith.constant 0 : i32
    %cond3A_44 = arith.cmpi ne, %convert_element_type3A_42, %cond3A_43 : i32
    scf.if %cond3A_44 {
      "tpu.region"() ({
        %run_scoped3A = tpu.sem_alloc : memref<!tpu.dma_semaphore, #tpu.memory_space<semaphore_mem>>
        %dma_start3A_45 = arith.constant 9984 : i32
        %dma_start3A_46 = arith.constant 0 : i32
        %dma_start3A_47 = tpu.memref_slice %arg7[%arg0, %dma_start3A_45, %dma_start3A_46] : memref<2x10000x128xf32, #tpu.memory_space<hbm>> -> memref<1x16x128xf32, #tpu.memory_space<hbm>>
        %dma_start3A_48 = tpu.memref_squeeze %dma_start3A_47 : memref<1x16x128xf32, #tpu.memory_space<hbm>> -> memref<16x128xf32, #tpu.memory_space<hbm>>
        %dma_start3A_49 = arith.constant 9984 : i32
        %dma_start3A_50 = arith.constant 0 : i32
        %dma_start3A_51 = tpu.memref_slice %arg10[%dma_start3A_49, %dma_start3A_50] : memref<10000x128xf32, #tpu.memory_space<vmem_shared>> -> memref<16x128xf32, #tpu.memory_space<vmem_shared>>
        tpu.enqueue_dma source(%dma_start3A_51 : memref<16x128xf32, #tpu.memory_space<vmem_shared>>) target(%dma_start3A_48 : memref<16x128xf32, #tpu.memory_space<hbm>>) target_semaphore(%run_scoped3A : memref<!tpu.dma_semaphore, #tpu.memory_space<semaphore_mem>>)
        %dma_wait3A_52 = arith.constant 9984 : i32
        %dma_wait3A_53 = arith.constant 0 : i32
        %dma_wait3A_54 = tpu.memref_slice %arg7[%arg0, %dma_wait3A_52, %dma_wait3A_53] : memref<2x10000x128xf32, #tpu.memory_space<hbm>> -> memref<1x16x128xf32, #tpu.memory_space<hbm>>
        %dma_wait3A_55 = tpu.memref_squeeze %dma_wait3A_54 : memref<1x16x128xf32, #tpu.memory_space<hbm>> -> memref<16x128xf32, #tpu.memory_space<hbm>>
        %dma_wait3A_56 = arith.constant 9984 : i32
        %dma_wait3A_57 = arith.constant 0 : i32
        %dma_wait3A_58 = tpu.memref_slice %arg10[%dma_wait3A_56, %dma_wait3A_57] : memref<10000x128xf32, #tpu.memory_space<vmem_shared>> -> memref<16x128xf32, #tpu.memory_space<vmem_shared>>
        tpu.wait_dma2 semaphore(%run_scoped3A : memref<!tpu.dma_semaphore, #tpu.memory_space<semaphore_mem>>) src(%dma_wait3A_58 : memref<16x128xf32, #tpu.memory_space<vmem_shared>>) dst(%dma_wait3A_55 : memref<16x128xf32, #tpu.memory_space<hbm>>)
        tpu.yield
      }) : () -> ()
    } else {
    }
    return
  }
}

module attributes {stable_mosaic.version = 14 : i64} {
  func.func @_group_transform_body(%arg0: memref<10000x128xf32, #tpu.memory_space<vmem>>, %arg1: memref<10000x1xi32, #tpu.memory_space<vmem>>, %arg2: memref<2x128x128xf32, #tpu.memory_space<vmem>>, %arg3: memref<128x128xf32, #tpu.memory_space<vmem>>, %arg4: memref<10008x128xf32, #tpu.memory_space<vmem>>, %arg5: memref<10000x128xf32, #tpu.memory_space<vmem>>) attributes {dimension_semantics = [], scalar_prefetch = 0 : i64, scratch_operands = 0 : i64, tpu.core_type = #tpu.core_type<tc>} {
    %get3A = arith.constant 0 : index
    %get3A_0 = arith.constant 0 : index
    %get3A_1 = vector.load %arg0[%get3A, %get3A_0] : memref<10000x128xf32, #tpu.memory_space<vmem>>, vector<10000x128xf32>
    %get3A_2 = arith.constant 0 : index
    %get3A_3 = arith.constant 0 : index
    %get3A_4 = vector.load %arg1[%get3A_2, %get3A_3] : memref<10000x1xi32, #tpu.memory_space<vmem>>, vector<10000x1xi32>
    %eq3A = arith.constant 0 : i32
    %eq3A_5 = vector.broadcast %eq3A : i32 to vector<10000x1xi32>
    %eq3A_6 = arith.cmpi eq, %get3A_4, %eq3A_5 : vector<10000x1xi32>
    %jit3A = arith.constant 0.000000e+00 : f32
    %broadcast_in_dim3A = vector.shape_cast %eq3A_6 : vector<10000x1xi1> to vector<10000x1xi1>
    %broadcast_in_dim3A_7 = vector.broadcast %broadcast_in_dim3A : vector<10000x1xi1> to vector<10000x128xi1>
    %broadcast_in_dim3A_8 = vector.broadcast %jit3A : f32 to vector<10000x128xf32>
    %select_n3A = arith.select %broadcast_in_dim3A_7, %get3A_1, %broadcast_in_dim3A_8 : vector<10000x128xi1>, vector<10000x128xf32>
    %get3A_9 = arith.constant 0 : index
    %get3A_10 = arith.constant 0 : index
    %get3A_11 = arith.constant 0 : index
    %get3A_12 = vector.load %arg2[%get3A_9, %get3A_10, %get3A_11] : memref<2x128x128xf32, #tpu.memory_space<vmem>>, vector<1x128x128xf32>
    %get3A_13 = vector.shape_cast %get3A_12 : vector<1x128x128xf32> to vector<128x128xf32>
    %dot_general3A = arith.constant dense<0.000000e+00> : vector<10000x128xf32>
    %dot_general3A_14 = tpu.matmul %select_n3A, %get3A_13, %dot_general3A {dimension_numbers = #tpu.dot_dimension_numbers<[1], [1], [0], [0], [0, 0, 1, 0], [], []>, transpose_lhs_hint = false} : vector<10000x128xf32>, vector<128x128xf32>, vector<10000x128xf32> -> vector<10000x128xf32>
    %eq3A_15 = arith.constant 1 : i32
    %eq3A_16 = vector.broadcast %eq3A_15 : i32 to vector<10000x1xi32>
    %eq3A_17 = arith.cmpi eq, %get3A_4, %eq3A_16 : vector<10000x1xi32>
    %jit3A_18 = arith.constant 0.000000e+00 : f32
    %broadcast_in_dim3A_19 = vector.shape_cast %eq3A_17 : vector<10000x1xi1> to vector<10000x1xi1>
    %broadcast_in_dim3A_20 = vector.broadcast %broadcast_in_dim3A_19 : vector<10000x1xi1> to vector<10000x128xi1>
    %broadcast_in_dim3A_21 = vector.broadcast %jit3A_18 : f32 to vector<10000x128xf32>
    %select_n3A_22 = arith.select %broadcast_in_dim3A_20, %get3A_1, %broadcast_in_dim3A_21 : vector<10000x128xi1>, vector<10000x128xf32>
    %get3A_23 = arith.constant 1 : index
    %get3A_24 = arith.constant 0 : index
    %get3A_25 = arith.constant 0 : index
    %get3A_26 = vector.load %arg2[%get3A_23, %get3A_24, %get3A_25] : memref<2x128x128xf32, #tpu.memory_space<vmem>>, vector<1x128x128xf32>
    %get3A_27 = vector.shape_cast %get3A_26 : vector<1x128x128xf32> to vector<128x128xf32>
    %dot_general3A_28 = arith.constant dense<0.000000e+00> : vector<10000x128xf32>
    %dot_general3A_29 = tpu.matmul %select_n3A_22, %get3A_27, %dot_general3A_28 {dimension_numbers = #tpu.dot_dimension_numbers<[1], [1], [0], [0], [0, 0, 1, 0], [], []>, transpose_lhs_hint = false} : vector<10000x128xf32>, vector<128x128xf32>, vector<10000x128xf32> -> vector<10000x128xf32>
    %add3A = arith.addf %dot_general3A_14, %dot_general3A_29 : vector<10000x128xf32>
    %swap3A = arith.constant 0 : index
    %swap3A_30 = arith.constant 0 : index
    %swap3A_31 = vector.load %arg4[%swap3A, %swap3A_30] : memref<10008x128xf32, #tpu.memory_space<vmem>>, vector<10000x128xf32>
    tpu.vector_store %arg4[%swap3A, %swap3A_30], %add3A {strides = array<i32>} : memref<10008x128xf32, #tpu.memory_space<vmem>>, vector<10000x128xf32>,
    %broadcast_in_dim3A_32 = arith.constant 0.000000e+00 : f32
    %broadcast_in_dim3A_33 = vector.broadcast %broadcast_in_dim3A_32 : f32 to vector<8x128xf32>
    %swap3A_34 = arith.constant 10000 : index
    %swap3A_35 = arith.constant 0 : index
    %swap3A_36 = vector.load %arg4[%swap3A_34, %swap3A_35] : memref<10008x128xf32, #tpu.memory_space<vmem>>, vector<8x128xf32>
    tpu.vector_store %arg4[%swap3A_34, %swap3A_35], %broadcast_in_dim3A_33 {strides = array<i32>} : memref<10008x128xf32, #tpu.memory_space<vmem>>, vector<8x128xf32>,
    %get3A_37 = arith.constant 0 : index
    %get3A_38 = arith.constant 0 : index
    %get3A_39 = vector.load %arg3[%get3A_37, %get3A_38] : memref<128x128xf32, #tpu.memory_space<vmem>>, vector<128x128xf32>
    %dot_general3A_40 = arith.constant dense<0.000000e+00> : vector<10000x128xf32>
    %dot_general3A_41 = tpu.matmul %get3A_1, %get3A_39, %dot_general3A_40 {dimension_numbers = #tpu.dot_dimension_numbers<[1], [1], [0], [0], [0, 0, 1, 0], [], []>, transpose_lhs_hint = false} : vector<10000x128xf32>, vector<128x128xf32>, vector<10000x128xf32> -> vector<10000x128xf32>
    %swap3A_42 = arith.constant 0 : index
    %swap3A_43 = arith.constant 0 : index
    %swap3A_44 = vector.load %arg5[%swap3A_42, %swap3A_43] : memref<10000x128xf32, #tpu.memory_space<vmem>>, vector<10000x128xf32>
    tpu.vector_store %arg5[%swap3A_42, %swap3A_43], %dot_general3A_41 {strides = array<i32>} : memref<10000x128xf32, #tpu.memory_space<vmem>>, vector<10000x128xf32>,
    return
  }
}

module attributes {stable_mosaic.version = 14 : i64} {
  func.func @_final_body(%arg0: memref<2x10000x128xf32, #tpu.memory_space<vmem>>, %arg1: memref<10000x128xf32, #tpu.memory_space<vmem>>) attributes {dimension_semantics = [], scalar_prefetch = 0 : i64, scratch_operands = 0 : i64, tpu.core_type = #tpu.core_type<tc>} {
    %get3A = arith.constant 0 : index
    %get3A_0 = arith.constant 0 : index
    %get3A_1 = arith.constant 0 : index
    %get3A_2 = vector.load %arg0[%get3A, %get3A_0, %get3A_1] : memref<2x10000x128xf32, #tpu.memory_space<vmem>>, vector<1x10000x128xf32>
    %get3A_3 = vector.shape_cast %get3A_2 : vector<1x10000x128xf32> to vector<10000x128xf32>
    %get3A_4 = arith.constant 1 : index
    %get3A_5 = arith.constant 0 : index
    %get3A_6 = arith.constant 0 : index
    %get3A_7 = vector.load %arg0[%get3A_4, %get3A_5, %get3A_6] : memref<2x10000x128xf32, #tpu.memory_space<vmem>>, vector<1x10000x128xf32>
    %get3A_8 = vector.shape_cast %get3A_7 : vector<1x10000x128xf32> to vector<10000x128xf32>
    %add3A = arith.addf %get3A_3, %get3A_8 : vector<10000x128xf32>
    %swap3A = arith.constant 0 : index
    %swap3A_9 = arith.constant 0 : index
    %swap3A_10 = vector.load %arg1[%swap3A, %swap3A_9] : memref<10000x128xf32, #tpu.memory_space<vmem>>, vector<10000x128xf32>
    tpu.vector_store %arg1[%swap3A, %swap3A_9], %add3A {strides = array<i32>} : memref<10000x128xf32, #tpu.memory_space<vmem>>, vector<10000x128xf32>,
    return
  }
}

</mosaic_0001>

<sc_bundles>
// kernel: kernel.5.cloned.1.call-start
scs
__scs_entry_jumppad:
0x0: {  	(pc) =	sbr.rel $0x88, $3  }
0x1: {  	(tag) =	ssettag $0x0;
	lr =	simm.s32 $0x1  }
0x2: {  	[smem:$0x3F9C] =	sst lr;
	_ =	strace $0xD0000000  }
0x3: {  	_ = 	snop  }
0x4: {  	_ = 	snop  }
0x5: {  	_ = 	snop  }
0x6: {  	_ = 	snop  }
0x7: {  	_ = 	snop  }
__scs_overlays_trampoline_lowered:
0x8: {  	[smem:$0x3FAB] =	sst s0  }
0x9: {  	[smem:$0x3FAC] =	sst s1  }
0xa: {  	[smem:$0x3FAD] =	sst s2  }
0xb: {  	[smem:$0x3FAE] =	sst s3  }
0xc: {  	[smem:$0x3FAF] =	sst s4  }
0xd: {  	[smem:$0x3FB0] =	sst s5  }
0xe: {  	[smem:$0x3FB1] =	sst s6  }
0xf: {  	[smem:$0x3FB2] =	sst s7  }
0x10: {  	[smem:$0x3FB3] =	sst s8  }
0x11: {  	[smem:$0x3FB4] =	sst s9;
	s0 =	simm.s32 @!p0 $0x0  }
0x12: {  	s1 =	sld [smem:$0x3F9A];
	s0 =	simm.s32 @p0 $0x1  }
0x13: {  	[smem:$0x3FB5] =	sst s0;
	s0 =	simm.s32 @!p1 $0x0  }
0x14: {  	s2 =	sld [smem:$0x3F99];
	s0 =	simm.s32 @p1 $0x1  }
0x15: {  	[smem:$0x3FB6] =	sst s0;
	s0 =	simm.s32 @!p2 $0x0  }
0x16: {  	s3 =	sld [smem:$0x3FDB];
	s0 =	simm.s32 @p2 $0x1  }
0x17: {  	s4 =	simm.s32 $0x1BF5;
	[smem:$0x3FB8] =	sst s0  }
0x18: {  	s0 =	sld [smem:$0x3F9B];
	_ =	swait.ge [sflag:s4], $0x0  }
0x19: {  	s7 =	sld [smem:$0x3F9C]  }
0x1a: {  	s8 =	sadd.s32 $0xFFFFE003, lr  }
0x1b: {  	s9 =	sadd.s32 $0xFFFFFEF7, lr;
	s5 =	simm.s32 $0xFFFFFFFF;
	p2 =	slt.u32 s8, $0xFFFFF086  }
0x1c: {  	p1 =	slt.u32 s9, $0xF7A;
	s5 =	simm.s32 @!p2 $0x0  }
0x1d: {  	s5 =	simm.s32 @p1 $0x1;
	p0 =	seq.s32 s7, s2  }
0x1e: {  	s7 =	smul.u32 @!p0 $0xF7A, s2;
	p2 =	seq.s32 @!p0 s5, $0x0  }
0x1f: {  	s9 =	smul.u32 $0xF7A, s1;
	s8 =	simm.s32 @!p0 $0x1BF5;
	p2 =	por !p2, p0  }
0x20: {  	[sflag:s8] =	ssyncset.s32 @!p0 $0xFFFFF086;
	s6 =	sadd.s32 @!p0 s3, s7;
	s7 =	simm.s32 @!p0 $0x108  }
0x21: {  	s3 =	sadd.s32 s3, s9;
	s6 =	sadd.s32 @!p0 $0x88, s6;
	s7 =	simm.s32 @p2 $0x1082  }
0x22: {  	[simem:s7], [sflag:s8] =	dma.local @!p0 [hbm:s6], $0xF7A  }
0x23: {  	s9 =	sor.u32 $0xD0000000, s2;
	s6 =	simm.s32 $0x108;
	_ =	swait.ge @!p0 [sflag:s8], $0x0  }
0x24: {  	s3 =	sadd.s32 $0x88, s3;
	s6 =	simm.s32 @!p1 $0x1082;
	[sflag:s4] =	ssyncset.s32 $0xFFFFF086  }
0x25: {  	[simem:s6], [sflag:s4] =	dma.local [hbm:s3], $0xF7A  }
0x26: {  	[smem:$0x3F9C] =	sst s1;
	(tag) =	ssettag s2;
	_ =	strace s9  }
0x27: {  	s1 =	sld [smem:$0x3FAC]  }
0x28: {  	s2 =	sld [smem:$0x3FAD]  }
0x29: {  	s4 =	sld [smem:$0x3FAF]  }
0x2a: {  	p0 =	seq.s32 s5, $0x0;
	s5 =	sld [smem:$0x3FB0]  }
0x2b: {  	s6 =	sld [smem:$0x3FB1]  }
0x2c: {  	s7 =	sld [smem:$0x3FB2]  }
0x2d: {  	s3 =	simm.s32 $0x108;
	s8 =	sld [smem:$0x3FB3]  }
0x2e: {  	s3 =	simm.s32 @!p0 $0x1082;
	s9 =	sld [smem:$0x3FB4]  }
0x2f: {  	lr =	sadd.s32 s0, s3;
	s0 =	sld [smem:$0x3FAB]  }
0x30: {  	s3 =	sld [smem:$0x3FAE]  }
0x31: {  	[smem:$0x3FB7] =	sst s10  }
0x32: {  	s10 =	sld [smem:$0x3FB5];
	_ =	sdelay $0x3  }
0x33: {  	p0 =	seq.s32 s10, $0x1;
	s10 =	sld [smem:$0x3FB7];
	_ =	sdelay $0x3  }
0x34: {  	[smem:$0x3FB7] =	sst s10  }
0x35: {  	s10 =	sld [smem:$0x3FB6];
	_ =	sdelay $0x3  }
0x36: {  	p1 =	seq.s32 s10, $0x1;
	s10 =	sld [smem:$0x3FB7];
	_ =	sdelay $0x3  }
0x37: {  	[smem:$0x3FB7] =	sst s10  }
0x38: {  	s10 =	sld [smem:$0x3FB8]  }
0x39: {  	_ = 	snop;
	(pc) =	sbr.ind lr, $3  }
0x3a: {  	_ = 	snop  }
0x3b: {  	_ = 	snop  }
0x3c: {  	p2 =	seq.s32 s10, $0x1;
	s10 =	sld [smem:$0x3FB7]  }
0x3d: {  	_ =	shalt  }
0x3e: {  	_ =	shalt  }
0x3f: {  	_ =	shalt  }
0x40: {  	_ =	shalt  }
0x41: {  	_ =	shalt  }
0x42: {  	_ =	shalt  }
0x43: {  	_ =	shalt  }
0x44: {  	_ =	shalt  }
0x45: {  	_ =	shalt  }
0x46: {  	_ =	shalt  }
0x47: {  	_ =	shalt  }
0x48: {  	_ =	shalt  }
0x49: {  	_ =	shalt  }
0x4a: {  	_ =	shalt  }
0x4b: {  	_ =	shalt  }
0x4c: {  	_ =	shalt  }
0x4d: {  	_ =	shalt  }
0x4e: {  	_ =	shalt  }
0x4f: {  	_ =	shalt  }
0x50: {  	_ =	shalt  }
0x51: {  	_ =	shalt  }
0x52: {  	_ =	shalt  }
0x53: {  	_ =	shalt  }
0x54: {  	_ =	shalt  }
0x55: {  	_ =	shalt  }
0x56: {  	_ =	shalt  }
0x57: {  	_ =	shalt  }
0x58: {  	_ =	shalt  }
0x59: {  	_ =	shalt  }
0x5a: {  	_ =	shalt  }
0x5b: {  	_ =	shalt  }
0x5c: {  	_ =	shalt  }
0x5d: {  	_ =	shalt  }
0x5e: {  	_ =	shalt  }
0x5f: {  	_ =	shalt  }
0x60: {  	_ =	shalt  }
0x61: {  	_ =	shalt  }
0x62: {  	_ =	shalt  }
0x63: {  	_ =	shalt  }
0x64: {  	_ =	shalt  }
0x65: {  	_ =	shalt  }
0x66: {  	_ =	shalt  }
0x67: {  	_ =	shalt  }
0x68: {  	_ =	shalt  }
0x69: {  	_ =	shalt  }
0x6a: {  	_ =	shalt  }
0x6b: {  	_ =	shalt  }
0x6c: {  	_ =	shalt  }
0x6d: {  	_ =	shalt  }
0x6e: {  	_ =	shalt  }
0x6f: {  	_ =	shalt  }
0x70: {  	_ =	shalt  }
0x71: {  	_ =	shalt  }
0x72: {  	_ =	shalt  }
0x73: {  	_ =	shalt  }
0x74: {  	_ =	shalt  }
0x75: {  	_ =	shalt  }
0x76: {  	_ =	shalt  }
0x77: {  	_ =	shalt  }
0x78: {  	_ =	shalt  }
0x79: {  	_ =	shalt  }
0x7a: {  	_ =	shalt  }
0x7b: {  	_ =	shalt  }
0x7c: {  	_ =	shalt  }
0x7d: {  	_ =	shalt  }
0x7e: {  	_ =	shalt  }
0x7f: {  	_ =	shalt  }
0x80: {  	_ =	shalt  }
0x81: {  	_ =	shalt  }
0x82: {  	_ =	shalt  }
0x83: {  	_ =	shalt  }
0x84: {  	_ =	shalt  }
0x85: {  	_ =	shalt  }
0x86: {  	_ =	shalt  }
0x87: {  	_ =	shalt  }
.Lfunc_end0:
.L_simem_size_0:
called_computation_lowered:
.L_overlay_start_0:
0x88: {  	s2 =	sld [smem:$0x3FD9]  }
0x89: {  	s3 =	sld [smem:$0x3FFE];
	_ =	sdelay $0x1  }
0x8a: {  	s1 =	srdreg.scid  }
0x8b: {  	s0 =	sand.u32 $0x1, s1  }
0x8c: {  	s17 =	sshll.u32 s0, $0xA;
	s2 =	sadd.s32 s3, s2  }
0x8d: {  	s2 =	sadd.s32 s2, s17  }
0x8e: {  	[smem:$0x3FC3] =	sst s2  }
0x8f: {  	_ = 	snop  }
0x90: {  	s2 =	sld [smem:$0x3FD0];
	(tm) =	ssettm $0x1  }
0x91: {  	s18 =	sld [smem:$0x3FFB];
	_ =	sdelay $0x3  }
0x92: {  	_ =	strace s18  }
0x93: {  	s3 =	sld [smem:$0x3FFC];
	_ =	sdelay $0x3  }
0x94: {  	_ =	strace s3  }
0x95: {  	s3 =	sld [smem:$0x3FFD];
	_ =	sdelay $0x3  }
0x96: {  	_ =	strace s3  }
0x97: {  	_ =	strace $0x8FFFFFFF  }
0x98: {  	s19 =	sld [smem:$0x3FDB];
	_ =	sdelay $0x1  }
0x99: {  	s4 =	simm.s32 $_scs_section_size  }
0x9a: {  	s5 =	simm.s32 $_size__tile_overlayer_lowered;
	s6 =	simm.s32 $_tile_overlayer_lowered  }
0x9b: {  	s22 =	simm.s32 $0x1BFF;
	s21 =	sshll.u32 s6, $0x1;
	s3 =	sadd.s32 s4, s19  }
0x9c: {  	s7 =	simm.s32 $0x0;
	s20 =	sshll.u32 s5, $0x1;
	s5 =	sadd.s32 s21, s3  }
0x9d: {  	[timem:s7], [sflag:s22] =	dma.local [hbm:s5], s20  }
0x9e: {  	_ =	swait.ge [sflag:s22], s20  }
0x9f: {  	s4 =	ssub.s32 $0x0, s20;
	[sflag:s22] =	ssyncset.done $0x0  }
0xa0: {  	[sflag:s22] =	ssyncadd.s32 s4;
	_ =	sdelay $0x1  }
0xa1: {  	s23 =	simm.s32 $0x1B8B  }
0xa2: {  	_ =	swait.ge [sflag:s23], $0x1  }
0xa3: {  	[sflag:s23] =	ssyncset.done $0x0  }
0xa4: {  	s25 =	simm.s32 $0x1B8E;
	s24 =	sld [smem:$0x3FFE];
	[sflag:s23] =	ssyncadd.s32 $0xFFFFFFFF  }
0xa5: {  	s26 =	simm.s32 $execute0_lowered;
	[smem:$0x3FD2] =	sst s25  }
0xa6: {  	s5 =	sshll.u32 s26, $0x1;
	_ =	strace $0x80000046;
	[dreg:$0x1] =	wrdreg $0xFFFFFFFF  }
0xa7: {  	s28 =	simm.s32 $_size_execute0_lowered;
	s3 =	sadd.s32 s3, s5;
	[dreg:$0x0] =	wrdreg $0x0  }
0xa8: {  	s5 =	sshll.u32 s28, $0x1;
	[dreg:$0x2] =	wrdreg s3  }
0xa9: {  	[dreg:$0x3] =	wrdreg s5  }
0xaa: {  	[dreg:$0x4] =	wrdreg $0xC0  }
0xab: {  	_ =	task [dreg:s7], $0x5FFFF  }
0xac: {  	[dreg:$0x1] =	wrdreg $0xFFFFFFFF  }
0xad: {  	[dreg:$0x0] =	wrdreg $0x60  }
0xae: {  	[dreg:$0x2] =	wrdreg s24  }
0xaf: {  	[dreg:$0x3] =	wrdreg s2  }
0xb0: {  	[dreg:$0x4] =	wrdreg $0x3C000  }
0xb1: {  	[dreg:$0x5] =	wrdreg $0x9  }
0xb2: {  	_ =	task.clear_ibuf [dreg:s7], $0x6FFFF;
	_ =	strace $0x90000046  }
0xb3: {  	s29 =	simm.s32 $0x9;
	_ =	strace $0x80000048  }
0xb4: {  	_ =	swait.ge [sflag:s29], $0x1  }
0xb5: {  	[sflag:s29] =	ssyncadd.s32 $0xFFFFFFFF  }
0xb6: {  	_ =	strace $0x90000048  }
0xb7: {  	_ =	sfence  }
0xb8: {  	s30 =	sld [smem:$0x0];
	_ =	sdelay $0x2  }
0xb9: {  	s31 =	sshll.u32 s1, $0xD;
	s1 =	sshrl.u32 s1, $0x2  }
0xba: {  	s3 =	sand.u32 $0x4000, s31;
	s1 =	sadd.s32 s1, s30  }
0xbb: {  	s0 =	sor.u32 s3, s0;
	s1 =	sshll.u32 s1, $0x11  }
0xbc: {  	s0 =	sor.u32 s1, s0  }
0xbd: {  	s0 =	sadd.s32 $0x8F2B, s0  }
0xbe: {  	[sflag:s0] =	ssyncadd.remote.s32 $0x1  }
0xbf: {  	_ =	sfence.sel $0xFFFF  }
0xc0: {  	[dreg:$0x0] =	wrdreg $0xFFFFFFFF;
	(pc) =	sbr.abs _section_cstart, $3  }
0xc1: {  	[dreg:$0x1] =	wrdreg $0xFFFFFFFF  }
0xc2: {  	_ =	task.clear_ibuf [dreg:s7], $0x2FFFF;
	_ =	strace $0x9FFFFFFF  }
0xc3: {  	(tm) =	ssettm $0x7FFFFFFF  }
tec
execute0_lowered:
.L_overlay_start_1:
0x0: {  	(tag) =	ssettag $0x1  }
0x1: {  	s0 =	rddreg [dreg:$0x0]  }
0x2: {  	s1 =	rddreg [dreg:$0x1]  }
0x3: {  	s2 =	srdreg.scid;
	s15 =	stileid.u32  }
0x4: {  	s6 =	rddreg [dreg:$0x2];
	s28 =	simm.s32 $0x1;
	s29 =	simm.s32 $0x2  }
0x5: {  	s30 =	simm.s32 $0x2780;
	s31 =	simm.s32 $0x0;
	s5 =	smul.u32 $0x4E000, s15  }
0x6: {  	s14 =	sand.u32 $0x1, s2;
	s3 =	sshll.u32 s15, $0x1;
	s19 =	smul.u32 $0x2700, s15  }
0x7: {  	s2 =	simm.s32 $0x0;
	s11 =	smul.u32 $0x13800, s15;
	s26 =	sshll.u32 s15, $0x6  }
0x8: {  	p1 =	seq.s32 s15, $0xF;
	s3 =	sor.u32 s14, s3;
	[smem:$0x7FF] =	sst s2  }
0x9: {  	s7 =	ssub.s32 $0x2, s14;
	s9 =	smul.u32 $0x138800, s14;
	p0 =	sne.s32 s14, $0x0  }
0xa: {  	s14 =	simm.s32 $0x3;
	s15 =	sor.u32 $0x1C03, s26;
	s26 =	simm.s32 $0x1B480  }
0xb: {  	s4 =	smul.u32 $0x2800, s3;
	_ =	strace $0x80000047;
	s8 =	sshrl.u32 s7, $0x1  }
0xc: {  	s3 =	sadd.s32 $0x15200, s0;
	s5 =	sshrl.u32 s5, $0x2;
	s13 =	ssub.s32 s7, s8  }
0xd: {  	s16 =	sadd.s32 s5, s6;
	s6 =	sadd.s32 $0x138000, s6;
	s7 =	sadd.s32 s1, s19  }
0xe: {  	s1 =	sadd.s32 $0x27000, s1;
	s20 =	sadd.s32 s11, s9;
	s21 =	sshrl.u32 s9, $0x3  }
0xf: {  	s19 =	simm.s32 $0x7D;
	s4 =	sshrl.u32 s4, $0x3;
	s22 =	sadd.s32 $0x4000, s16  }
0x10: {  	s23 =	sadd.s32 $0x8000, s16;
	s24 =	sadd.s32 $0xC000, s16;
	[dreg:$0x4] =	wrdreg s7  }
0x11: {  	s25 =	sadd.s32 $0x10000, s16;
	[dreg:$0x5] =	wrdreg s1;
	s1 =	sshrl.u32 s20, $0x3  }
0x12: {  	s13 =	smax.u32 s13, $0x1;
	s16 =	sshrl.u32 s16, $0x3;
	s17 =	sshrl.u32 s6, $0x3  }
0x13: {  	s20 =	simm.s32 $0x17480;
	s10 =	sadd.s32 s4, s0;
	s4 =	sadd.s32 $0x3C400, s0  }
0x14: {  	s0 =	sadd.s32 $0x3CC00, s0;
	s22 =	sshrl.u32 s22, $0x3;
	s23 =	sshrl.u32 s23, $0x3  }
0x15: {  	s24 =	sshrl.u32 s24, $0x3;
	s25 =	sshrl.u32 s25, $0x3;
	s5 =	sadd.s32 $0xB200, s10  }
0x16: {  	s9 =	sadd.s32 $0x1200, s10;
	s12 =	sadd.s32 s0, s21;
	s10 =	sadd.s32 $0x1480, s10  }
0x17: {  	s11 =	sadd.s32 s0, s1;
	s21 =	simm.s32 $0x2800;
	s12 =	sadd.s32 $0x27000, s12  }
.LBB2_1:
.Ltmp0:
0x18: {  	(pc) =	sbr.rel @p0 .LBB2_11-.Ltmp0, $4  }
0x19: {  	[tilespmem:s2], [sflag:$0x3] =	stream.linear.gather [hbm4b:s5+s2], $0x2800, $0x38;
	[tilespmem:$0x1F480] =	vst v63  }
0x1a: {  	_ =	swait.ge [sflag:s14], $0x2800  }
0x1b: {  	[sflag:s14] =	ssyncset.done $0x0  }
0x1c: {  	[sflag:s14] =	ssyncadd.s32 $0xFFFFD800  }
.Ltmp1:
0x1d: {  	s0 =	rddreg [dreg:$0x4];
	(pc) =	sbr.rel @!p1 .LBB2_5-.Ltmp1, $4  }
0x1e: {  	[spmem:s16], [sflag:s15] =	dma.local [hbm:s0], $0x2700  }
0x1f: {  	_ =	swait.ge [sflag:s14], $0x2700  }
0x20: {  	[sflag:s14] =	ssyncset.done $0x0  }
0x21: {  	p2 =	por $0x0, $0x0;
	[sflag:s14] =	ssyncadd.s32 $0xFFFFD900  }
.Ltmp2:
0x22: {  	(pc) =	sbr.rel .LBB2_4-.Ltmp2, $2  }
0x23: {  	_ =	sdelay $0x2  }
0x24: {  	s0 =	rddreg [dreg:$0x5]  }
.LBB2_11:
0x25: {  	[spmem:s16], [sflag:s15] =	dma.local [hbm:s4], $0x800  }
0x26: {  	_ =	swait.ge [sflag:s14], $0x800  }
0x27: {  	[sflag:s14] =	ssyncset.done $0x0  }
0x28: {  	[sflag:s14] =	ssyncadd.s32 $0xFFFFF800  }
0x29: {  	[spmem:s22], [sflag:s15] =	dma.local [hbm:s4], $0x800  }
0x2a: {  	_ =	swait.ge [sflag:s14], $0x800  }
0x2b: {  	[sflag:s14] =	ssyncset.done $0x0  }
0x2c: {  	[sflag:s14] =	ssyncadd.s32 $0xFFFFF800  }
0x2d: {  	[spmem:s23], [sflag:s15] =	dma.local [hbm:s4], $0x800  }
0x2e: {  	_ =	swait.ge [sflag:s14], $0x800  }
0x2f: {  	[sflag:s14] =	ssyncset.done $0x0  }
0x30: {  	[sflag:s14] =	ssyncadd.s32 $0xFFFFF800  }
0x31: {  	[spmem:s24], [sflag:s15] =	dma.local [hbm:s4], $0x800  }
0x32: {  	_ =	swait.ge [sflag:s14], $0x800  }
0x33: {  	[sflag:s14] =	ssyncset.done $0x0  }
.Ltmp3:
0x34: {  	[sflag:s14] =	ssyncadd.s32 $0xFFFFF800;
	(pc) =	sbr.rel @!p1 .LBB2_5-.Ltmp3, $4  }
0x35: {  	[spmem:s25], [sflag:s15] =	dma.local [hbm:s4], $0x700  }
0x36: {  	_ =	swait.ge [sflag:s14], $0x700  }
0x37: {  	[sflag:s14] =	ssyncset.done $0x0  }
0x38: {  	p2 =	por $0x0, $0x0;
	s0 =	smov.u32 s4;
	[sflag:s14] =	ssyncadd.s32 $0xFFFFF900  }
.LBB2_4:
0x39: {  	s1 =	simm.s32 $0x1FC3  }
0x3a: {  	[spmem:s17], [sflag:s1] =	dma.local [hbm:s0], $0x100  }
0x3b: {  	_ =	swait.ge [sflag:s14], $0x100  }
0x3c: {  	[sflag:s14] =	ssyncset.done $0x0  }
0x3d: {  	p2 =	por $0x1, $0x1;
	[sflag:s14] =	ssyncadd.s32 $0xFFFFFF00  }
.LBB2_5:
0x3e: {  	[bflag:$0x0] =	sbarrier.arrive $0xFFFF  }
0x3f: {  	[tilespmem:s20], [sflag:$0x1] =	stream.indirect.gather [hbm4b:s3+s19], $0x80, s2, s19, $0xb8;
	[tilespmem:$0x1F480] =	vst v63  }
0x40: {  	_ = 	snop  }
0x41: {  	[tilespmem:s21], [sflag:$0x3] =	stream.linear.gather [hbm4b:s9+s2], $0x1400, $0x38;
	[tilespmem:$0x1F480] =	vst v63  }
0x42: {  	_ =	swait.ge [sflag:s14], $0x1400  }
0x43: {  	[sflag:s14] =	ssyncset.done $0x0  }
0x44: {  	s0 =	simm.s32 $0x80;
	[sflag:s14] =	ssyncadd.s32 $0xFFFFEC00  }
0x45: {  	[tilespmem:s26], [sflag:$0x2] =	stream.indirect.gather [hbm4b:s3+s19], $0x80, s0, s19, $0xb8;
	[tilespmem:$0x1F480] =	vst v63  }
0x46: {  	_ =	swait.ge [sflag:s28], $0x3E80  }
0x47: {  	[sflag:s28] =	ssyncset.done $0x0  }
0x48: {  	s18 =	simm.s32 $0x100;
	[sflag:s28] =	ssyncadd.s32 $0xFFFFC180  }
0x49: {  	[tilespmem:s20], [sflag:$0x1] =	stream.indirect.gather [hbm4b:s3+s19], $0x80, s18, s19, $0xb8;
	[tilespmem:$0x1F480] =	vst v63  }
0x4a: {  	_ =	swait.ge [sflag:s29], $0x3E80  }
0x4b: {  	s1 =	simm.s32 $0xFFFFED00;
	s0 =	simm.s32 $0xFFFFB800;
	[sflag:s29] =	ssyncset.done $0x0  }
.LBB2_6:
0x4c: {  	s8 =	sadd.s32 $0x1480, s1  }
0x4d: {  	[sflag:s29] =	ssyncadd.s32 $0xFFFFC180;
	s18 =	smov.u32 s0;
	s7 =	sadd.s32 $0x400, s0  }
0x4e: {  	[tilespmem:s26], [sflag:$0x2] =	stream.indirect.gather [hbm4b:s3+s19], $0x80, s8, s19, $0xb8;
	[tilespmem:$0x1F480] =	vst v63  }
0x4f: {  	p3 =	sne.s32 s0, $0xFFFFFC00;
	_ =	swait.ge [sflag:s28], $0x3E80  }
.Ltmp4:
0x50: {  	[sflag:s28] =	ssyncset.done $0x0;
	(pc) =	sbr.rel @p3 .LBB2_6-.Ltmp4, $4  }
0x51: {  	s0 =	sadd.s32 $0x1500, s1;
	[sflag:s28] =	ssyncadd.s32 $0xFFFFC180  }
0x52: {  	[tilespmem:s20], [sflag:$0x1] =	stream.indirect.gather [hbm4b:s3+s19], $0x80, s0, s19, $0xb8;
	[tilespmem:$0x1F480] =	vst v63  }
0x53: {  	_ =	swait.ge [sflag:s29], $0x3E80  }
0x54: {  	s1 =	sshra.s32 s18, $0x2;
	s0 =	smov.u32 s7;
	[sflag:s29] =	ssyncset.done $0x0  }
0x55: {  	s0 =	sadd.s32 $0x1480, s1;
	[sflag:s29] =	ssyncadd.s32 $0xFFFFC180  }
0x56: {  	[tilespmem:s26], [sflag:$0x2] =	stream.indirect.gather [hbm4b:s3+s19], $0x80, s0, s19, $0xb8;
	[tilespmem:$0x1F480] =	vst v63  }
0x57: {  	_ =	swait.ge [sflag:s28], $0x3E80  }
0x58: {  	[sflag:s28] =	ssyncset.done $0x0  }
0x59: {  	s7 =	sadd.s32 $0x1500, s1;
	[sflag:s28] =	ssyncadd.s32 $0xFFFFC180  }
0x5a: {  	[tilespmem:s20], [sflag:$0x1] =	stream.indirect.gather [hbm4b:s3+s19], $0x80, s7, s19, $0xb8;
	[tilespmem:$0x1F480] =	vst v63  }
0x5b: {  	_ =	swait.ge [sflag:s29], $0x3E80  }
0x5c: {  	[sflag:s29] =	ssyncset.done $0x0  }
0x5d: {  	[sflag:s29] =	ssyncadd.s32 $0xFFFFC180  }
0x5e: {  	[tilespmem:s21], [sflag:$0x3] =	stream.linear.gather [hbm4b:s10+s2], $0x1400, $0x38;
	[tilespmem:$0x1F480] =	vst v63  }
0x5f: {  	_ =	swait.ge [sflag:s14], $0x1400  }
0x60: {  	[sflag:s14] =	ssyncset.done $0x0  }
0x61: {  	s8 =	simm.s32 $0x1480;
	[sflag:s14] =	ssyncadd.s32 $0xFFFFEC00  }
0x62: {  	[tilespmem:s26], [sflag:$0x2] =	stream.indirect.gather [hbm4b:s3+s19], $0x80, s8, s19, $0xb8;
	[tilespmem:$0x1F480] =	vst v63  }
0x63: {  	_ =	swait.ge [sflag:s28], $0x3E80  }
0x64: {  	[sflag:s28] =	ssyncset.done $0x0  }
0x65: {  	s18 =	simm.s32 $0x1500;
	[sflag:s28] =	ssyncadd.s32 $0xFFFFC180  }
0x66: {  	[tilespmem:s20], [sflag:$0x1] =	stream.indirect.gather [hbm4b:s3+s19], $0x80, s18, s19, $0xb8;
	[tilespmem:$0x1F480] =	vst v63  }
0x67: {  	_ =	swait.ge [sflag:s29], $0x3E80  }
0x68: {  	s1 =	simm.s32 $0xFFFFEE00;
	s0 =	simm.s32 $0xFFFFBC00;
	[sflag:s29] =	ssyncset.done $0x0  }
.LBB2_8:
0x69: {  	s7 =	sadd.s32 $0x2780, s1  }
0x6a: {  	[sflag:s29] =	ssyncadd.s32 $0xFFFFC180;
	s8 =	smov.u32 s0;
	s18 =	sadd.s32 $0x400, s0  }
0x6b: {  	[tilespmem:s26], [sflag:$0x2] =	stream.indirect.gather [hbm4b:s3+s19], $0x80, s7, s19, $0xb8;
	[tilespmem:$0x1F480] =	vst v63  }
0x6c: {  	p3 =	sne.s32 s0, $0xFFFFFC00;
	_ =	swait.ge [sflag:s28], $0x3E80  }
.Ltmp5:
0x6d: {  	[sflag:s28] =	ssyncset.done $0x0;
	(pc) =	sbr.rel @p3 .LBB2_8-.Ltmp5, $4  }
0x6e: {  	s0 =	sadd.s32 $0x2800, s1;
	[sflag:s28] =	ssyncadd.s32 $0xFFFFC180  }
0x6f: {  	[tilespmem:s20], [sflag:$0x1] =	stream.indirect.gather [hbm4b:s3+s19], $0x80, s0, s19, $0xb8;
	[tilespmem:$0x1F480] =	vst v63  }
0x70: {  	_ =	swait.ge [sflag:s29], $0x3E80  }
0x71: {  	s1 =	sshra.s32 s8, $0x2;
	s0 =	smov.u32 s18;
	[sflag:s29] =	ssyncset.done $0x0  }
0x72: {  	s0 =	sadd.s32 $0x2780, s1;
	[sflag:s29] =	ssyncadd.s32 $0xFFFFC180  }
0x73: {  	[tilespmem:s26], [sflag:$0x2] =	stream.indirect.gather [hbm4b:s3+s19], $0x80, s0, s19, $0xb8;
	[tilespmem:$0x1F480] =	vst v63  }
0x74: {  	_ =	swait.ge [sflag:s28], $0x3E80  }
0x75: {  	[sflag:s28] =	ssyncset.done $0x0  }
0x76: {  	s18 =	sadd.s32 $0x2800, s1;
	[sflag:s28] =	ssyncadd.s32 $0xFFFFC180  }
0x77: {  	[tilespmem:s20], [sflag:$0x1] =	stream.indirect.gather [hbm4b:s3+s19], $0x80, s18, s19, $0xb8;
	[tilespmem:$0x1F480] =	vst v63  }
0x78: {  	_ =	swait.ge [sflag:s29], $0x3E80  }
0x79: {  	[sflag:s29] =	ssyncset.done $0x0  }
0x7a: {  	[sflag:s29] =	ssyncadd.s32 $0xFFFFC180  }
0x7b: {  	[tilespmem:s26], [sflag:$0x2] =	stream.indirect.gather [hbm4b:s3+s19], $0x80, s30, s19, $0xb8;
	[tilespmem:$0x1F480] =	vst v63  }
0x7c: {  	_ =	swait.ge [sflag:s28], $0x3E80  }
0x7d: {  	[sflag:s28] =	ssyncset.done $0x0  }
0x7e: {  	[sflag:s28] =	ssyncadd.s32 $0xFFFFC180  }
0x7f: {  	[tilespmem:s20], [sflag:$0x1] =	stream.indirect.gather [hbm4b:s3+s19], $0x80, s2, s19, $0xb8;
	[tilespmem:$0x1F480] =	vst v63  }
0x80: {  	_ =	swait.ge [sflag:s29], $0x3E80  }
0x81: {  	[sflag:s29] =	ssyncset.done $0x0  }
0x82: {  	[sflag:s29] =	ssyncadd.s32 $0xFFFFC180  }
0x83: {  	_ =	swait.ge [sflag:s28], $0x3E80  }
0x84: {  	[sflag:s28] =	ssyncset.done $0x0  }
0x85: {  	[sflag:s28] =	ssyncadd.s32 $0xFFFFC180  }
0x86: {  	[bflag:$0x0] =	sbarrier.arrive $0xFFFF  }
0x87: {  	[hbm:s11], [sflag:s15] =	dma.local [spmem:s16], $0x2700  }
0x88: {  	_ =	swait.ge [sflag:s14], $0x2700  }
0x89: {  	s31 =	sadd.s32 $0x1, s31;
	[sflag:s14] =	ssyncset.done $0x0  }
0x8a: {  	s0 =	sshrl.u32 @p2 s6, $0x3;
	p3 =	sne.s32 s31, s13;
	[sflag:s14] =	ssyncadd.s32 $0xFFFFD900  }
0x8b: {  	[hbm:s12], [sflag:s15] =	dma.local @p2 [spmem:s0], $0x100  }
.Ltmp6:
0x8c: {  	_ = 	snop;
	(pc) =	sbr.rel @p3 .LBB2_1-.Ltmp6, $4  }
0x8d: {  	s0 =	simm.s32 @p2 $0x3  }
0x8e: {  	_ =	swait.ge @p2 [sflag:s0], $0x100  }
0x8f: {  	[sflag:s0] =	ssyncset.done @p2 $0x0  }
0x90: {  	[sflag:s0] =	ssyncadd.s32 @p2 $0xFFFFFF00  }
0x91: {  	_ =	sfence.sel $0x180000  }
0x92: {  	[bflag:$0x0] =	sbarrier.arrive $0xFFFF  }
0x93: {  	_ =	strace $0x90000047  }
0x94: {  	s0 =	stileid.u32;
	[bflag:$0x2] =	sbarrier.arrive $0xFFFF  }
0x95: {  	p0 =	sne.s32 s0, $0x0;
	s0 =	rddreg [dreg:$0x3]  }
0x96: {  	s0 =	sadd.s32 @!p0 $0x100000, s0  }
0x97: {  	[sflag:s0] =	ssyncadd.tile.s32 @!p0 $0x1;
	_ =	shalt  }
.Lfunc_end2:
_tile_overlayer_lowered:
.L_overlay_start_2:
0x98: {  	(tag) =	ssettag $0x2  }
0x99: {  	s0 =	rddreg [dreg:$0x0];
	s2 =	stileid.u32  }
0x9a: {  	s1 =	rddreg [dreg:$0x1];
	p0 =	sne.s32 s2, $0x0  }
0x9b: {  	s3 =	rddreg [dreg:$0x2];
	[bflag:$0x3] =	sbarrier.arrive $0xFFFF;
	s2 =	simm.s32 @!p0 $0x1C03  }
0x9c: {  	[timem:s3], [sflag:s2] =	dma.local @!p0 [hbm:s0], s1  }
0x9d: {  	s0 =	simm.s32 @!p0 $0x3  }
0x9e: {  	_ =	swait.ge @!p0 [sflag:s0], s1  }
0x9f: {  	s1 =	ssub.s32 @!p0 $0x0, s1;
	[sflag:s0] =	ssyncset.done @!p0 $0x0  }
0xa0: {  	[sflag:s0] =	ssyncadd.s32 @!p0 s1  }
0xa1: {  	[bflag:$0x3] =	sbarrier.arrive $0xFFFF  }
0xa2: {  	_ =	shalt  }

</sc_bundles>
